<compile_context>
chip_gen: v7x
topology: tpu7x:2x2x1
jax: 0.10.2.dev20260603
libtpu: 0.0.44.dev20260713+nightly
codegen_flags: <defaults>
</compile_context>

<pallas_src>
import functools

import jax
import jax.numpy as jnp
from jax import lax
from jax.experimental import pallas as pl
from jax.experimental.pallas import tpu as pltpu
from jax.experimental.pallas import tpu_sc as plsc

_B = 32
_K = 1024
_DIM = 50257
_KNN = 8
_NCLASS = 2
_INV_T = 20.0

_DB = 4096
_ND = -(-_DIM // _DB)

_LN_POLY = (1.024394859e-02, -5.326809416e-02, 1.319908369e-01,
            -2.239679875e-01, 3.275122369e-01, -4.993340753e-01,
            9.999702565e-01, 2.212031243e-07)
_LN2 = 0.6931471805599453


def _fast_ln(x):
    bits = lax.bitcast_convert_type(x, jnp.int32)
    e = ((bits >> 23) - 127).astype(jnp.float32)
    m = lax.bitcast_convert_type(
        (bits & 0x007FFFFF) | 0x3F800000, jnp.float32)
    t = m - 1.0
    p = jnp.full_like(t, _LN_POLY[0])
    for c in _LN_POLY[1:]:
        p = p * t + c
    return e * _LN2 + p


def _accumulate(at, lq, accc, acca):
    la = jnp.log(at)

    def _hi(x):
        return x.astype(jnp.bfloat16).astype(jnp.float32)

    at_hi = _hi(at)
    at_lo = at - at_hi
    lq_hi = _hi(lq)
    lq_lo = lq - lq_hi
    lhs = jnp.concatenate([lq_hi, lq_lo, lq_hi], axis=1).astype(jnp.bfloat16)
    rhs = jnp.concatenate([at_hi, at_hi, at_lo], axis=0).astype(jnp.bfloat16)
    dn = (((1,), (0,)), ((), ()))
    accc[...] += lax.dot_general(lhs, rhs, dn, preferred_element_type=jnp.float32)
    acca[...] += jnp.sum(at * la, axis=0, keepdims=True)


def _dist_body(q_ref, at_ref, out_ref, accc, acca):
    di = pl.program_id(0)
    nd = pl.num_programs(0)

    @pl.when(di == 0)
    def _init():
        accc[...] = jnp.zeros_like(accc)
        acca[...] = jnp.zeros_like(acca)

    @pl.when(di < nd - 1)
    def _steady():
        _accumulate(at_ref[...], jnp.log(q_ref[...]), accc, acca)

    @pl.when(di == nd - 1)
    def _last():
        dmask_r = di * _DB + lax.broadcasted_iota(jnp.int32, (_DB, 1), 0) < _DIM
        dmask_c = di * _DB + lax.broadcasted_iota(jnp.int32, (1, _DB), 1) < _DIM
        at = jnp.where(dmask_r, at_ref[...], 1.0)
        lq = jnp.log(jnp.where(dmask_c, q_ref[...], 1.0))
        _accumulate(at, lq, accc, acca)
        out_ref[...] = (_INV_T / _DIM) * (accc[...] - acca[...])


def _scaled_dists(logits, queue_anchor):
    a_t = queue_anchor.T
    return pl.pallas_call(
        _dist_body,
        grid=(_ND,),
        in_specs=[
            pl.BlockSpec((_B, _DB), lambda di: (0, di)),
            pl.BlockSpec((_DB, _K), lambda di: (di, 0)),
        ],
        out_specs=pl.BlockSpec((_B, _K), lambda di: (0, 0)),
        out_shape=jax.ShapeDtypeStruct((_B, _K), jnp.float32),
        scratch_shapes=[
            pltpu.VMEM((_B, _K), jnp.float32),
            pltpu.VMEM((1, _K), jnp.float32),
        ],
        compiler_params=pltpu.CompilerParams(
            dimension_semantics=("arbitrary",),
            vmem_limit_bytes=100 * 1024 * 1024,
        ),
    )(logits, a_t)


def _knn_tail(scaled, queue_label):
    info = plsc.get_sparse_core_info()
    nc, ns = info.num_cores, info.num_subcores
    assert nc * ns == _B

    mesh = plsc.VectorSubcoreMesh(core_axis_name="c", subcore_axis_name="s")

    @functools.partial(
        pl.kernel,
        mesh=mesh,
        out_type=jax.ShapeDtypeStruct((_B, 16), jnp.float32),
        scratch_types=[
            pltpu.VMEM((_K,), jnp.float32),
            pltpu.VMEM((_K,), jnp.int32),
            pltpu.VMEM((16,), jnp.float32),
        ],
        compiler_params=pltpu.CompilerParams(needs_layout_passes=False),
    )
    def tail(scaled_hbm, label_hbm, out_hbm, row_v, lab_v, out_v):
        b = lax.axis_index("s") * nc + lax.axis_index("c")
        pltpu.sync_copy(scaled_hbm.at[b], row_v)
        pltpu.sync_copy(label_hbm, lab_v)

        lane = lax.iota(jnp.int32, 16)
        rk = jnp.full((16,), -3.4e38, jnp.float32)
        rl = jnp.zeros((16,), jnp.int32)
        for c in range(_K // 16):
            ck = row_v[pl.ds(c * 16, 16)]
            cl = lab_v[pl.ds(c * 16, 16)]
            ck_s, cl_s = plsc.sort_key_val(ck, cl, descending=True)
            take_r = rk >= ck_s
            nk = jnp.where(take_r, rk, ck_s)
            nl = jnp.where(take_r, rl, cl_s)
            rk, rl = plsc.sort_key_val(nk, nl, descending=False)

        top8 = lane >= 8
        m = jnp.max(rk)
        w = jnp.where(top8, jnp.exp(rk - m), 0.0)
        s1 = jnp.sum(jnp.where(rl == 1, w, 0.0))
        s0 = jnp.sum(jnp.where(rl == 0, w, 0.0))
        d = jnp.full((16,), s0 + s1, jnp.float32)
        r = lax.bitcast_convert_type(
            jnp.full((16,), 0x7EF127EA, jnp.int32)
            - lax.bitcast_convert_type(d, jnp.int32), jnp.float32)
        for _ in range(3):
            r = r * (2.0 - d * r)
        out_v[...] = jnp.where(lane == 0, s0, jnp.where(lane == 1, s1, 0.0)) * r
        pltpu.sync_copy(out_v, out_hbm.at[b])

    return tail(scaled, queue_label)


def kernel(logits, queue_anchor, queue_label):
    scaled = _scaled_dists(logits, queue_anchor)
    out16 = _knn_tail(scaled, queue_label)
    return out16[:, :_NCLASS]

# --- scband reference (transcript-rebuilt; emitter-appended) ---
"""Pipeline reference for scband-anchor-store-13426067767648 (READ-ONLY COPY).

The authoritative reference and input builder live on the scoring server;
editing this copy changes nothing except your own understanding.
"""

import jax, jax.numpy as jnp
import numpy as np

B = 32
K = 1024
DIM = 50257
KNN = 8
N_CLASS = 2
KNN_T = 0.05

def setup_inputs(seed: int = 0) -> dict:
    key = jax.random.key(seed)
    k1, k2, k3 = jax.random.split(key, 3)
    # logits must be strictly positive (the module takes log of them)
    logits = jax.random.uniform(k1, (B, DIM), dtype=jnp.float32, minval=1e-3, maxval=1.0)
    # queue_anchor buffer: must also be positive since the module takes its log
    queue_anchor = jax.random.uniform(k2, (K, DIM), dtype=jnp.float32, minval=1e-3, maxval=1.0)
    # queue_label buffer: valid class ids in [0, n_class)
    queue_label = jax.random.randint(k3, (K,), 0, N_CLASS, dtype=jnp.int32)
    return {"logits": logits, "queue_anchor": queue_anchor, "queue_label": queue_label}

def reference(logits, queue_anchor, queue_label):
    # knn_calibrate of AnchorStore.
    # dists[b,k] = mean_d a[k,d]*(log a[k,d] - log q[b,d])
    #            = mean_d a[k,d]*log a[k,d] - (1/D) * (a @ log(q).T)[k,b]
    # (mathematically identical to the broadcasted form, avoids the K*B*D temp)
    dim = queue_anchor.shape[1]
    log_a = jnp.log(queue_anchor)
    a_loga_mean = jnp.mean(queue_anchor * log_a, axis=1)          # [K]
    cross = (queue_anchor @ jnp.log(logits).T) / dim              # [K, B]
    dists = (a_loga_mean[:, None] - cross).T                      # [B, K]
    # l2_dists is computed in the original forward but never used in the output
    l2_dists = (jnp.sum(queue_anchor ** 2, axis=1)[None, :]
                + jnp.sum(logits ** 2, axis=1)[:, None]
                - 2.0 * (logits @ queue_anchor.T))                # [B, K]
    _ = l2_dists
    scaled_dists = (-1.0 / KNN_T) * dists                         # [B, K]
    top_dists, top_indices = jax.lax.top_k(scaled_dists, KNN)     # [B, KNN]
    top_values = jnp.take(queue_label, top_indices, axis=0)       # [B, KNN]
    knn_weight = jax.nn.softmax(top_dists, axis=-1)               # [B, KNN]
    # scatter_(2, top_values, knn_weight) == one_hot * weight (one write per (b,k))
    knn_prob = jnp.sum(jax.nn.one_hot(top_values, N_CLASS, dtype=knn_weight.dtype)
                       * knn_weight[..., None], axis=-2)          # [B, N_CLASS]
    return knn_prob

if __name__ == "__main__":
    import jax
    _d = setup_inputs()
    print(jax.jit(kernel)(*tuple(_d.values())))

</pallas_src>

<mosaic_0001>
#map = affine_map<(d0, d1) -> (0, 0)>
#map1 = affine_map<(d0, d1) -> (0)>
module attributes {stable_mosaic.version = 14 : i64} {
  func.func @tail(%arg0: i32, %arg1: i32, %arg2: memref<32x1024xf32, #tpu.memory_space<hbm>>, %arg3: memref<1024xi32, #tpu.memory_space<hbm>>, %arg4: memref<32x16xf32, #tpu.memory_space<hbm>>, %arg5: memref<1024xf32, #tpu.memory_space<vmem>>, %arg6: memref<1024xi32, #tpu.memory_space<vmem>>, %arg7: memref<16xf32, #tpu.memory_space<vmem>>) attributes {dimension_semantics = [#tpu.dimension_semantics<core_parallel>, #tpu.dimension_semantics<subcore_parallel>], iteration_bounds = array<i64: 2, 16>, scalar_prefetch = 0 : i64, scratch_operands = 3 : i64, tpu.core_type = #tpu.core_type<sc_vector_subcore>, window_params = [{transform_indices = #map}, {transform_indices = #map1}, {transform_indices = #map}]} {
    %mul3A = arith.constant 2 : i32
    %mul3A_0 = arith.muli %arg1, %mul3A : i32
    %add3A = arith.addi %mul3A_0, %arg0 : i32
    "tpu.region"() ({
      %run_scoped3A = tpu.sem_alloc : memref<!tpu.dma_semaphore, #tpu.memory_space<semaphore_mem>>
      %dma_start3A = arith.constant 0 : i32
      %dma_start3A_1022 = tpu.memref_slice %arg2[%add3A, %dma_start3A] : memref<32x1024xf32, #tpu.memory_space<hbm>> -> memref<1x1024xf32, #tpu.memory_space<hbm>>
      %dma_start3A_1023 = tpu.memref_squeeze %dma_start3A_1022 : memref<1x1024xf32, #tpu.memory_space<hbm>> -> memref<1024xf32, #tpu.memory_space<hbm>>
      %dma_start3A_1024 = arith.constant 0 : i32
      %dma_start3A_1025 = tpu.memref_slice %arg2[%add3A, %dma_start3A_1024] : memref<32x1024xf32, #tpu.memory_space<hbm>> -> memref<1x1024xf32, #tpu.memory_space<hbm>>
      %dma_start3A_1026 = tpu.memref_squeeze %dma_start3A_1025 : memref<1x1024xf32, #tpu.memory_space<hbm>> -> memref<1024xf32, #tpu.memory_space<hbm>>
      tpu.enqueue_dma source(%dma_start3A_1026 : memref<1024xf32, #tpu.memory_space<hbm>>) target(%arg5 : memref<1024xf32, #tpu.memory_space<vmem>>) target_semaphore(%run_scoped3A : memref<!tpu.dma_semaphore, #tpu.memory_space<semaphore_mem>>)
      %dma_wait3A = arith.constant 0 : i32
      %dma_wait3A_1027 = tpu.memref_slice %arg2[%add3A, %dma_wait3A] : memref<32x1024xf32, #tpu.memory_space<hbm>> -> memref<1x1024xf32, #tpu.memory_space<hbm>>
      %dma_wait3A_1028 = tpu.memref_squeeze %dma_wait3A_1027 : memref<1x1024xf32, #tpu.memory_space<hbm>> -> memref<1024xf32, #tpu.memory_space<hbm>>
      %dma_wait3A_1029 = arith.constant 0 : i32
      %dma_wait3A_1030 = tpu.memref_slice %arg2[%add3A, %dma_wait3A_1029] : memref<32x1024xf32, #tpu.memory_space<hbm>> -> memref<1x1024xf32, #tpu.memory_space<hbm>>
      %dma_wait3A_1031 = tpu.memref_squeeze %dma_wait3A_1030 : memref<1x1024xf32, #tpu.memory_space<hbm>> -> memref<1024xf32, #tpu.memory_space<hbm>>
      tpu.wait_dma2 semaphore(%run_scoped3A : memref<!tpu.dma_semaphore, #tpu.memory_space<semaphore_mem>>) src(%dma_wait3A_1031 : memref<1024xf32, #tpu.memory_space<hbm>>) dst(%arg5 : memref<1024xf32, #tpu.memory_space<vmem>>)
      tpu.yield
    }) : () -> ()
    "tpu.region"() ({
      %run_scoped3A = tpu.sem_alloc : memref<!tpu.dma_semaphore, #tpu.memory_space<semaphore_mem>>
      tpu.enqueue_dma source(%arg3 : memref<1024xi32, #tpu.memory_space<hbm>>) target(%arg6 : memref<1024xi32, #tpu.memory_space<vmem>>) target_semaphore(%run_scoped3A : memref<!tpu.dma_semaphore, #tpu.memory_space<semaphore_mem>>)
      tpu.wait_dma2 semaphore(%run_scoped3A : memref<!tpu.dma_semaphore, #tpu.memory_space<semaphore_mem>>) src(%arg3 : memref<1024xi32, #tpu.memory_space<hbm>>) dst(%arg6 : memref<1024xi32, #tpu.memory_space<vmem>>)
      tpu.yield
    }) : () -> ()
    %iota3A = tpu.iota {dimensions = array<i32: 0>} : vector<16xi32>
    %broadcast_in_dim3A = arith.constant -3.400000e+38 : f32
    %broadcast_in_dim3A_1 = vector.broadcast %broadcast_in_dim3A : f32 to vector<16xf32>
    %broadcast_in_dim3A_2 = arith.constant 0 : i32
    %broadcast_in_dim3A_3 = vector.broadcast %broadcast_in_dim3A_2 : i32 to vector<16xi32>
    %get3A = arith.constant 0 : index
    %get3A_4 = tpu.vector_load %arg5[%get3A] {strides = array<i32>} : memref<1024xf32, #tpu.memory_space<vmem>>, vector<16xf32>,
    %get3A_5 = arith.constant 0 : index
    %get3A_6 = tpu.vector_load %arg6[%get3A_5] {strides = array<i32>} : memref<1024xi32, #tpu.memory_space<vmem>>, vector<16xi32>,
    %masked_sort3A = arith.constant dense<true> : vector<16xi1>
    %masked_sort3A_7, %masked_sort3A_8, %masked_sort3A_9 = tpu.sort %get3A_4, %get3A_6 masked %masked_sort3A {descending = true} : (vector<16xf32>, vector<16xi32>, vector<16xi1>) -> (vector<16xi1>, vector<16xf32>, vector<16xi32>)
    %ge3A = arith.cmpf oge, %broadcast_in_dim3A_1, %masked_sort3A_8 : vector<16xf32>
    %select_n3A = arith.select %ge3A, %broadcast_in_dim3A_1, %masked_sort3A_8 : vector<16xi1>, vector<16xf32>
    %select_n3A_10 = arith.select %ge3A, %broadcast_in_dim3A_3, %masked_sort3A_9 : vector<16xi1>, vector<16xi32>
    %masked_sort3A_11 = arith.constant dense<true> : vector<16xi1>
    %masked_sort3A_12, %masked_sort3A_13, %masked_sort3A_14 = tpu.sort %select_n3A, %select_n3A_10 masked %masked_sort3A_11 : (vector<16xf32>, vector<16xi32>, vector<16xi1>) -> (vector<16xi1>, vector<16xf32>, vector<16xi32>)
    %get3A_15 = arith.constant 16 : index
    %get3A_16 = tpu.vector_load %arg5[%get3A_15] {strides = array<i32>} : memref<1024xf32, #tpu.memory_space<vmem>>, vector<16xf32>,
    %get3A_17 = arith.constant 16 : index
    %get3A_18 = tpu.vector_load %arg6[%get3A_17] {strides = array<i32>} : memref<1024xi32, #tpu.memory_space<vmem>>, vector<16xi32>,
    %masked_sort3A_19 = arith.constant dense<true> : vector<16xi1>
    %masked_sort3A_20, %masked_sort3A_21, %masked_sort3A_22 = tpu.sort %get3A_16, %get3A_18 masked %masked_sort3A_19 {descending = true} : (vector<16xf32>, vector<16xi32>, vector<16xi1>) -> (vector<16xi1>, vector<16xf32>, vector<16xi32>)
    %ge3A_23 = arith.cmpf oge, %masked_sort3A_13, %masked_sort3A_21 : vector<16xf32>
    %select_n3A_24 = arith.select %ge3A_23, %masked_sort3A_13, %masked_sort3A_21 : vector<16xi1>, vector<16xf32>
    %select_n3A_25 = arith.select %ge3A_23, %masked_sort3A_14, %masked_sort3A_22 : vector<16xi1>, vector<16xi32>
    %masked_sort3A_26 = arith.constant dense<true> : vector<16xi1>
    %masked_sort3A_27, %masked_sort3A_28, %masked_sort3A_29 = tpu.sort %select_n3A_24, %select_n3A_25 masked %masked_sort3A_26 : (vector<16xf32>, vector<16xi32>, vector<16xi1>) -> (vector<16xi1>, vector<16xf32>, vector<16xi32>)
    %get3A_30 = arith.constant 32 : index
    %get3A_31 = tpu.vector_load %arg5[%get3A_30] {strides = array<i32>} : memref<1024xf32, #tpu.memory_space<vmem>>, vector<16xf32>,
    %get3A_32 = arith.constant 32 : index
    %get3A_33 = tpu.vector_load %arg6[%get3A_32] {strides = array<i32>} : memref<1024xi32, #tpu.memory_space<vmem>>, vector<16xi32>,
    %masked_sort3A_34 = arith.constant dense<true> : vector<16xi1>
    %masked_sort3A_35, %masked_sort3A_36, %masked_sort3A_37 = tpu.sort %get3A_31, %get3A_33 masked %masked_sort3A_34 {descending = true} : (vector<16xf32>, vector<16xi32>, vector<16xi1>) -> (vector<16xi1>, vector<16xf32>, vector<16xi32>)
    %ge3A_38 = arith.cmpf oge, %masked_sort3A_28, %masked_sort3A_36 : vector<16xf32>
    %select_n3A_39 = arith.select %ge3A_38, %masked_sort3A_28, %masked_sort3A_36 : vector<16xi1>, vector<16xf32>
    %select_n3A_40 = arith.select %ge3A_38, %masked_sort3A_29, %masked_sort3A_37 : vector<16xi1>, vector<16xi32>
    %masked_sort3A_41 = arith.constant dense<true> : vector<16xi1>
    %masked_sort3A_42, %masked_sort3A_43, %masked_sort3A_44 = tpu.sort %select_n3A_39, %select_n3A_40 masked %masked_sort3A_41 : (vector<16xf32>, vector<16xi32>, vector<16xi1>) -> (vector<16xi1>, vector<16xf32>, vector<16xi32>)
    %get3A_45 = arith.constant 48 : index
    %get3A_46 = tpu.vector_load %arg5[%get3A_45] {strides = array<i32>} : memref<1024xf32, #tpu.memory_space<vmem>>, vector<16xf32>,
    %get3A_47 = arith.constant 48 : index
    %get3A_48 = tpu.vector_load %arg6[%get3A_47] {strides = array<i32>} : memref<1024xi32, #tpu.memory_space<vmem>>, vector<16xi32>,
    %masked_sort3A_49 = arith.constant dense<true> : vector<16xi1>
    %masked_sort3A_50, %masked_sort3A_51, %masked_sort3A_52 = tpu.sort %get3A_46, %get3A_48 masked %masked_sort3A_49 {descending = true} : (vector<16xf32>, vector<16xi32>, vector<16xi1>) -> (vector<16xi1>, vector<16xf32>, vector<16xi32>)
    %ge3A_53 = arith.cmpf oge, %masked_sort3A_43, %masked_sort3A_51 : vector<16xf32>
    %select_n3A_54 = arith.select %ge3A_53, %masked_sort3A_43, %masked_sort3A_51 : vector<16xi1>, vector<16xf32>
    %select_n3A_55 = arith.select %ge3A_53, %masked_sort3A_44, %masked_sort3A_52 : vector<16xi1>, vector<16xi32>
    %masked_sort3A_56 = arith.constant dense<true> : vector<16xi1>
    %masked_sort3A_57, %masked_sort3A_58, %masked_sort3A_59 = tpu.sort %select_n3A_54, %select_n3A_55 masked %masked_sort3A_56 : (vector<16xf32>, vector<16xi32>, vector<16xi1>) -> (vector<16xi1>, vector<16xf32>, vector<16xi32>)
    %get3A_60 = arith.constant 64 : index
    %get3A_61 = tpu.vector_load %arg5[%get3A_60] {strides = array<i32>} : memref<1024xf32, #tpu.memory_space<vmem>>, vector<16xf32>,
    %get3A_62 = arith.constant 64 : index
    %get3A_63 = tpu.vector_load %arg6[%get3A_62] {strides = array<i32>} : memref<1024xi32, #tpu.memory_space<vmem>>, vector<16xi32>,
    %masked_sort3A_64 = arith.constant dense<true> : vector<16xi1>
    %masked_sort3A_65, %masked_sort3A_66, %masked_sort3A_67 = tpu.sort %get3A_61, %get3A_63 masked %masked_sort3A_64 {descending = true} : (vector<16xf32>, vector<16xi32>, vector<16xi1>) -> (vector<16xi1>, vector<16xf32>, vector<16xi32>)
    %ge3A_68 = arith.cmpf oge, %masked_sort3A_58, %masked_sort3A_66 : vector<16xf32>
    %select_n3A_69 = arith.select %ge3A_68, %masked_sort3A_58, %masked_sort3A_66 : vector<16xi1>, vector<16xf32>
    %select_n3A_70 = arith.select %ge3A_68, %masked_sort3A_59, %masked_sort3A_67 : vector<16xi1>, vector<16xi32>
    %masked_sort3A_71 = arith.constant dense<true> : vector<16xi1>
    %masked_sort3A_72, %masked_sort3A_73, %masked_sort3A_74 = tpu.sort %select_n3A_69, %select_n3A_70 masked %masked_sort3A_71 : (vector<16xf32>, vector<16xi32>, vector<16xi1>) -> (vector<16xi1>, vector<16xf32>, vector<16xi32>)
    %get3A_75 = arith.constant 80 : index
    %get3A_76 = tpu.vector_load %arg5[%get3A_75] {strides = array<i32>} : memref<1024xf32, #tpu.memory_space<vmem>>, vector<16xf32>,
    %get3A_77 = arith.constant 80 : index
    %get3A_78 = tpu.vector_load %arg6[%get3A_77] {strides = array<i32>} : memref<1024xi32, #tpu.memory_space<vmem>>, vector<16xi32>,
    %masked_sort3A_79 = arith.constant dense<true> : vector<16xi1>
    %masked_sort3A_80, %masked_sort3A_81, %masked_sort3A_82 = tpu.sort %get3A_76, %get3A_78 masked %masked_sort3A_79 {descending = true} : (vector<16xf32>, vector<16xi32>, vector<16xi1>) -> (vector<16xi1>, vector<16xf32>, vector<16xi32>)
    %ge3A_83 = arith.cmpf oge, %masked_sort3A_73, %masked_sort3A_81 : vector<16xf32>
    %select_n3A_84 = arith.select %ge3A_83, %masked_sort3A_73, %masked_sort3A_81 : vector<16xi1>, vector<16xf32>
    %select_n3A_85 = arith.select %ge3A_83, %masked_sort3A_74, %masked_sort3A_82 : vector<16xi1>, vector<16xi32>
    %masked_sort3A_86 = arith.constant dense<true> : vector<16xi1>
    %masked_sort3A_87, %masked_sort3A_88, %masked_sort3A_89 = tpu.sort %select_n3A_84, %select_n3A_85 masked %masked_sort3A_86 : (vector<16xf32>, vector<16xi32>, vector<16xi1>) -> (vector<16xi1>, vector<16xf32>, vector<16xi32>)
    %get3A_90 = arith.constant 96 : index
    %get3A_91 = tpu.vector_load %arg5[%get3A_90] {strides = array<i32>} : memref<1024xf32, #tpu.memory_space<vmem>>, vector<16xf32>,
    %get3A_92 = arith.constant 96 : index
    %get3A_93 = tpu.vector_load %arg6[%get3A_92] {strides = array<i32>} : memref<1024xi32, #tpu.memory_space<vmem>>, vector<16xi32>,
    %masked_sort3A_94 = arith.constant dense<true> : vector<16xi1>
    %masked_sort3A_95, %masked_sort3A_96, %masked_sort3A_97 = tpu.sort %get3A_91, %get3A_93 masked %masked_sort3A_94 {descending = true} : (vector<16xf32>, vector<16xi32>, vector<16xi1>) -> (vector<16xi1>, vector<16xf32>, vector<16xi32>)
    %ge3A_98 = arith.cmpf oge, %masked_sort3A_88, %masked_sort3A_96 : vector<16xf32>
    %select_n3A_99 = arith.select %ge3A_98, %masked_sort3A_88, %masked_sort3A_96 : vector<16xi1>, vector<16xf32>
    %select_n3A_100 = arith.select %ge3A_98, %masked_sort3A_89, %masked_sort3A_97 : vector<16xi1>, vector<16xi32>
    %masked_sort3A_101 = arith.constant dense<true> : vector<16xi1>
    %masked_sort3A_102, %masked_sort3A_103, %masked_sort3A_104 = tpu.sort %select_n3A_99, %select_n3A_100 masked %masked_sort3A_101 : (vector<16xf32>, vector<16xi32>, vector<16xi1>) -> (vector<16xi1>, vector<16xf32>, vector<16xi32>)
    %get3A_105 = arith.constant 112 : index
    %get3A_106 = tpu.vector_load %arg5[%get3A_105] {strides = array<i32>} : memref<1024xf32, #tpu.memory_space<vmem>>, vector<16xf32>,
    %get3A_107 = arith.constant 112 : index
    %get3A_108 = tpu.vector_load %arg6[%get3A_107] {strides = array<i32>} : memref<1024xi32, #tpu.memory_space<vmem>>, vector<16xi32>,
    %masked_sort3A_109 = arith.constant dense<true> : vector<16xi1>
    %masked_sort3A_110, %masked_sort3A_111, %masked_sort3A_112 = tpu.sort %get3A_106, %get3A_108 masked %masked_sort3A_109 {descending = true} : (vector<16xf32>, vector<16xi32>, vector<16xi1>) -> (vector<16xi1>, vector<16xf32>, vector<16xi32>)
    %ge3A_113 = arith.cmpf oge, %masked_sort3A_103, %masked_sort3A_111 : vector<16xf32>
    %select_n3A_114 = arith.select %ge3A_113, %masked_sort3A_103, %masked_sort3A_111 : vector<16xi1>, vector<16xf32>
    %select_n3A_115 = arith.select %ge3A_113, %masked_sort3A_104, %masked_sort3A_112 : vector<16xi1>, vector<16xi32>
    %masked_sort3A_116 = arith.constant dense<true> : vector<16xi1>
    %masked_sort3A_117, %masked_sort3A_118, %masked_sort3A_119 = tpu.sort %select_n3A_114, %select_n3A_115 masked %masked_sort3A_116 : (vector<16xf32>, vector<16xi32>, vector<16xi1>) -> (vector<16xi1>, vector<16xf32>, vector<16xi32>)
    %get3A_120 = arith.constant 128 : index
    %get3A_121 = tpu.vector_load %arg5[%get3A_120] {strides = array<i32>} : memref<1024xf32, #tpu.memory_space<vmem>>, vector<16xf32>,
    %get3A_122 = arith.constant 128 : index
    %get3A_123 = tpu.vector_load %arg6[%get3A_122] {strides = array<i32>} : memref<1024xi32, #tpu.memory_space<vmem>>, vector<16xi32>,
    %masked_sort3A_124 = arith.constant dense<true> : vector<16xi1>
    %masked_sort3A_125, %masked_sort3A_126, %masked_sort3A_127 = tpu.sort %get3A_121, %get3A_123 masked %masked_sort3A_124 {descending = true} : (vector<16xf32>, vector<16xi32>, vector<16xi1>) -> (vector<16xi1>, vector<16xf32>, vector<16xi32>)
    %ge3A_128 = arith.cmpf oge, %masked_sort3A_118, %masked_sort3A_126 : vector<16xf32>
    %select_n3A_129 = arith.select %ge3A_128, %masked_sort3A_118, %masked_sort3A_126 : vector<16xi1>, vector<16xf32>
    %select_n3A_130 = arith.select %ge3A_128, %masked_sort3A_119, %masked_sort3A_127 : vector<16xi1>, vector<16xi32>
    %masked_sort3A_131 = arith.constant dense<true> : vector<16xi1>
    %masked_sort3A_132, %masked_sort3A_133, %masked_sort3A_134 = tpu.sort %select_n3A_129, %select_n3A_130 masked %masked_sort3A_131 : (vector<16xf32>, vector<16xi32>, vector<16xi1>) -> (vector<16xi1>, vector<16xf32>, vector<16xi32>)
    %get3A_135 = arith.constant 144 : index
    %get3A_136 = tpu.vector_load %arg5[%get3A_135] {strides = array<i32>} : memref<1024xf32, #tpu.memory_space<vmem>>, vector<16xf32>,
    %get3A_137 = arith.constant 144 : index
    %get3A_138 = tpu.vector_load %arg6[%get3A_137] {strides = array<i32>} : memref<1024xi32, #tpu.memory_space<vmem>>, vector<16xi32>,
    %masked_sort3A_139 = arith.constant dense<true> : vector<16xi1>
    %masked_sort3A_140, %masked_sort3A_141, %masked_sort3A_142 = tpu.sort %get3A_136, %get3A_138 masked %masked_sort3A_139 {descending = true} : (vector<16xf32>, vector<16xi32>, vector<16xi1>) -> (vector<16xi1>, vector<16xf32>, vector<16xi32>)
    %ge3A_143 = arith.cmpf oge, %masked_sort3A_133, %masked_sort3A_141 : vector<16xf32>
    %select_n3A_144 = arith.select %ge3A_143, %masked_sort3A_133, %masked_sort3A_141 : vector<16xi1>, vector<16xf32>
    %select_n3A_145 = arith.select %ge3A_143, %masked_sort3A_134, %masked_sort3A_142 : vector<16xi1>, vector<16xi32>
    %masked_sort3A_146 = arith.constant dense<true> : vector<16xi1>
    %masked_sort3A_147, %masked_sort3A_148, %masked_sort3A_149 = tpu.sort %select_n3A_144, %select_n3A_145 masked %masked_sort3A_146 : (vector<16xf32>, vector<16xi32>, vector<16xi1>) -> (vector<16xi1>, vector<16xf32>, vector<16xi32>)
    %get3A_150 = arith.constant 160 : index
    %get3A_151 = tpu.vector_load %arg5[%get3A_150] {strides = array<i32>} : memref<1024xf32, #tpu.memory_space<vmem>>, vector<16xf32>,
    %get3A_152 = arith.constant 160 : index
    %get3A_153 = tpu.vector_load %arg6[%get3A_152] {strides = array<i32>} : memref<1024xi32, #tpu.memory_space<vmem>>, vector<16xi32>,
    %masked_sort3A_154 = arith.constant dense<true> : vector<16xi1>
    %masked_sort3A_155, %masked_sort3A_156, %masked_sort3A_157 = tpu.sort %get3A_151, %get3A_153 masked %masked_sort3A_154 {descending = true} : (vector<16xf32>, vector<16xi32>, vector<16xi1>) -> (vector<16xi1>, vector<16xf32>, vector<16xi32>)
    %ge3A_158 = arith.cmpf oge, %masked_sort3A_148, %masked_sort3A_156 : vector<16xf32>
    %select_n3A_159 = arith.select %ge3A_158, %masked_sort3A_148, %masked_sort3A_156 : vector<16xi1>, vector<16xf32>
    %select_n3A_160 = arith.select %ge3A_158, %masked_sort3A_149, %masked_sort3A_157 : vector<16xi1>, vector<16xi32>
    %masked_sort3A_161 = arith.constant dense<true> : vector<16xi1>
    %masked_sort3A_162, %masked_sort3A_163, %masked_sort3A_164 = tpu.sort %select_n3A_159, %select_n3A_160 masked %masked_sort3A_161 : (vector<16xf32>, vector<16xi32>, vector<16xi1>) -> (vector<16xi1>, vector<16xf32>, vector<16xi32>)
    %get3A_165 = arith.constant 176 : index
    %get3A_166 = tpu.vector_load %arg5[%get3A_165] {strides = array<i32>} : memref<1024xf32, #tpu.memory_space<vmem>>, vector<16xf32>,
    %get3A_167 = arith.constant 176 : index
    %get3A_168 = tpu.vector_load %arg6[%get3A_167] {strides = array<i32>} : memref<1024xi32, #tpu.memory_space<vmem>>, vector<16xi32>,
    %masked_sort3A_169 = arith.constant dense<true> : vector<16xi1>
    %masked_sort3A_170, %masked_sort3A_171, %masked_sort3A_172 = tpu.sort %get3A_166, %get3A_168 masked %masked_sort3A_169 {descending = true} : (vector<16xf32>, vector<16xi32>, vector<16xi1>) -> (vector<16xi1>, vector<16xf32>, vector<16xi32>)
    %ge3A_173 = arith.cmpf oge, %masked_sort3A_163, %masked_sort3A_171 : vector<16xf32>
    %select_n3A_174 = arith.select %ge3A_173, %masked_sort3A_163, %masked_sort3A_171 : vector<16xi1>, vector<16xf32>
    %select_n3A_175 = arith.select %ge3A_173, %masked_sort3A_164, %masked_sort3A_172 : vector<16xi1>, vector<16xi32>
    %masked_sort3A_176 = arith.constant dense<true> : vector<16xi1>
    %masked_sort3A_177, %masked_sort3A_178, %masked_sort3A_179 = tpu.sort %select_n3A_174, %select_n3A_175 masked %masked_sort3A_176 : (vector<16xf32>, vector<16xi32>, vector<16xi1>) -> (vector<16xi1>, vector<16xf32>, vector<16xi32>)
    %get3A_180 = arith.constant 192 : index
    %get3A_181 = tpu.vector_load %arg5[%get3A_180] {strides = array<i32>} : memref<1024xf32, #tpu.memory_space<vmem>>, vector<16xf32>,
    %get3A_182 = arith.constant 192 : index
    %get3A_183 = tpu.vector_load %arg6[%get3A_182] {strides = array<i32>} : memref<1024xi32, #tpu.memory_space<vmem>>, vector<16xi32>,
    %masked_sort3A_184 = arith.constant dense<true> : vector<16xi1>
    %masked_sort3A_185, %masked_sort3A_186, %masked_sort3A_187 = tpu.sort %get3A_181, %get3A_183 masked %masked_sort3A_184 {descending = true} : (vector<16xf32>, vector<16xi32>, vector<16xi1>) -> (vector<16xi1>, vector<16xf32>, vector<16xi32>)
    %ge3A_188 = arith.cmpf oge, %masked_sort3A_178, %masked_sort3A_186 : vector<16xf32>
    %select_n3A_189 = arith.select %ge3A_188, %masked_sort3A_178, %masked_sort3A_186 : vector<16xi1>, vector<16xf32>
    %select_n3A_190 = arith.select %ge3A_188, %masked_sort3A_179, %masked_sort3A_187 : vector<16xi1>, vector<16xi32>
    %masked_sort3A_191 = arith.constant dense<true> : vector<16xi1>
    %masked_sort3A_192, %masked_sort3A_193, %masked_sort3A_194 = tpu.sort %select_n3A_189, %select_n3A_190 masked %masked_sort3A_191 : (vector<16xf32>, vector<16xi32>, vector<16xi1>) -> (vector<16xi1>, vector<16xf32>, vector<16xi32>)
    %get3A_195 = arith.constant 208 : index
    %get3A_196 = tpu.vector_load %arg5[%get3A_195] {strides = array<i32>} : memref<1024xf32, #tpu.memory_space<vmem>>, vector<16xf32>,
    %get3A_197 = arith.constant 208 : index
    %get3A_198 = tpu.vector_load %arg6[%get3A_197] {strides = array<i32>} : memref<1024xi32, #tpu.memory_space<vmem>>, vector<16xi32>,
    %masked_sort3A_199 = arith.constant dense<true> : vector<16xi1>
    %masked_sort3A_200, %masked_sort3A_201, %masked_sort3A_202 = tpu.sort %get3A_196, %get3A_198 masked %masked_sort3A_199 {descending = true} : (vector<16xf32>, vector<16xi32>, vector<16xi1>) -> (vector<16xi1>, vector<16xf32>, vector<16xi32>)
    %ge3A_203 = arith.cmpf oge, %masked_sort3A_193, %masked_sort3A_201 : vector<16xf32>
    %select_n3A_204 = arith.select %ge3A_203, %masked_sort3A_193, %masked_sort3A_201 : vector<16xi1>, vector<16xf32>
    %select_n3A_205 = arith.select %ge3A_203, %masked_sort3A_194, %masked_sort3A_202 : vector<16xi1>, vector<16xi32>
    %masked_sort3A_206 = arith.constant dense<true> : vector<16xi1>
    %masked_sort3A_207, %masked_sort3A_208, %masked_sort3A_209 = tpu.sort %select_n3A_204, %select_n3A_205 masked %masked_sort3A_206 : (vector<16xf32>, vector<16xi32>, vector<16xi1>) -> (vector<16xi1>, vector<16xf32>, vector<16xi32>)
    %get3A_210 = arith.constant 224 : index
    %get3A_211 = tpu.vector_load %arg5[%get3A_210] {strides = array<i32>} : memref<1024xf32, #tpu.memory_space<vmem>>, vector<16xf32>,
    %get3A_212 = arith.constant 224 : index
    %get3A_213 = tpu.vector_load %arg6[%get3A_212] {strides = array<i32>} : memref<1024xi32, #tpu.memory_space<vmem>>, vector<16xi32>,
    %masked_sort3A_214 = arith.constant dense<true> : vector<16xi1>
    %masked_sort3A_215, %masked_sort3A_216, %masked_sort3A_217 = tpu.sort %get3A_211, %get3A_213 masked %masked_sort3A_214 {descending = true} : (vector<16xf32>, vector<16xi32>, vector<16xi1>) -> (vector<16xi1>, vector<16xf32>, vector<16xi32>)
    %ge3A_218 = arith.cmpf oge, %masked_sort3A_208, %masked_sort3A_216 : vector<16xf32>
    %select_n3A_219 = arith.select %ge3A_218, %masked_sort3A_208, %masked_sort3A_216 : vector<16xi1>, vector<16xf32>
    %select_n3A_220 = arith.select %ge3A_218, %masked_sort3A_209, %masked_sort3A_217 : vector<16xi1>, vector<16xi32>
    %masked_sort3A_221 = arith.constant dense<true> : vector<16xi1>
    %masked_sort3A_222, %masked_sort3A_223, %masked_sort3A_224 = tpu.sort %select_n3A_219, %select_n3A_220 masked %masked_sort3A_221 : (vector<16xf32>, vector<16xi32>, vector<16xi1>) -> (vector<16xi1>, vector<16xf32>, vector<16xi32>)
    %get3A_225 = arith.constant 240 : index
    %get3A_226 = tpu.vector_load %arg5[%get3A_225] {strides = array<i32>} : memref<1024xf32, #tpu.memory_space<vmem>>, vector<16xf32>,
    %get3A_227 = arith.constant 240 : index
    %get3A_228 = tpu.vector_load %arg6[%get3A_227] {strides = array<i32>} : memref<1024xi32, #tpu.memory_space<vmem>>, vector<16xi32>,
    %masked_sort3A_229 = arith.constant dense<true> : vector<16xi1>
    %masked_sort3A_230, %masked_sort3A_231, %masked_sort3A_232 = tpu.sort %get3A_226, %get3A_228 masked %masked_sort3A_229 {descending = true} : (vector<16xf32>, vector<16xi32>, vector<16xi1>) -> (vector<16xi1>, vector<16xf32>, vector<16xi32>)
    %ge3A_233 = arith.cmpf oge, %masked_sort3A_223, %masked_sort3A_231 : vector<16xf32>
    %select_n3A_234 = arith.select %ge3A_233, %masked_sort3A_223, %masked_sort3A_231 : vector<16xi1>, vector<16xf32>
    %select_n3A_235 = arith.select %ge3A_233, %masked_sort3A_224, %masked_sort3A_232 : vector<16xi1>, vector<16xi32>
    %masked_sort3A_236 = arith.constant dense<true> : vector<16xi1>
    %masked_sort3A_237, %masked_sort3A_238, %masked_sort3A_239 = tpu.sort %select_n3A_234, %select_n3A_235 masked %masked_sort3A_236 : (vector<16xf32>, vector<16xi32>, vector<16xi1>) -> (vector<16xi1>, vector<16xf32>, vector<16xi32>)
    %get3A_240 = arith.constant 256 : index
    %get3A_241 = tpu.vector_load %arg5[%get3A_240] {strides = array<i32>} : memref<1024xf32, #tpu.memory_space<vmem>>, vector<16xf32>,
    %get3A_242 = arith.constant 256 : index
    %get3A_243 = tpu.vector_load %arg6[%get3A_242] {strides = array<i32>} : memref<1024xi32, #tpu.memory_space<vmem>>, vector<16xi32>,
    %masked_sort3A_244 = arith.constant dense<true> : vector<16xi1>
    %masked_sort3A_245, %masked_sort3A_246, %masked_sort3A_247 = tpu.sort %get3A_241, %get3A_243 masked %masked_sort3A_244 {descending = true} : (vector<16xf32>, vector<16xi32>, vector<16xi1>) -> (vector<16xi1>, vector<16xf32>, vector<16xi32>)
    %ge3A_248 = arith.cmpf oge, %masked_sort3A_238, %masked_sort3A_246 : vector<16xf32>
    %select_n3A_249 = arith.select %ge3A_248, %masked_sort3A_238, %masked_sort3A_246 : vector<16xi1>, vector<16xf32>
    %select_n3A_250 = arith.select %ge3A_248, %masked_sort3A_239, %masked_sort3A_247 : vector<16xi1>, vector<16xi32>
    %masked_sort3A_251 = arith.constant dense<true> : vector<16xi1>
    %masked_sort3A_252, %masked_sort3A_253, %masked_sort3A_254 = tpu.sort %select_n3A_249, %select_n3A_250 masked %masked_sort3A_251 : (vector<16xf32>, vector<16xi32>, vector<16xi1>) -> (vector<16xi1>, vector<16xf32>, vector<16xi32>)
    %get3A_255 = arith.constant 272 : index
    %get3A_256 = tpu.vector_load %arg5[%get3A_255] {strides = array<i32>} : memref<1024xf32, #tpu.memory_space<vmem>>, vector<16xf32>,
    %get3A_257 = arith.constant 272 : index
    %get3A_258 = tpu.vector_load %arg6[%get3A_257] {strides = array<i32>} : memref<1024xi32, #tpu.memory_space<vmem>>, vector<16xi32>,
    %masked_sort3A_259 = arith.constant dense<true> : vector<16xi1>
    %masked_sort3A_260, %masked_sort3A_261, %masked_sort3A_262 = tpu.sort %get3A_256, %get3A_258 masked %masked_sort3A_259 {descending = true} : (vector<16xf32>, vector<16xi32>, vector<16xi1>) -> (vector<16xi1>, vector<16xf32>, vector<16xi32>)
    %ge3A_263 = arith.cmpf oge, %masked_sort3A_253, %masked_sort3A_261 : vector<16xf32>
    %select_n3A_264 = arith.select %ge3A_263, %masked_sort3A_253, %masked_sort3A_261 : vector<16xi1>, vector<16xf32>
    %select_n3A_265 = arith.select %ge3A_263, %masked_sort3A_254, %masked_sort3A_262 : vector<16xi1>, vector<16xi32>
    %masked_sort3A_266 = arith.constant dense<true> : vector<16xi1>
    %masked_sort3A_267, %masked_sort3A_268, %masked_sort3A_269 = tpu.sort %select_n3A_264, %select_n3A_265 masked %masked_sort3A_266 : (vector<16xf32>, vector<16xi32>, vector<16xi1>) -> (vector<16xi1>, vector<16xf32>, vector<16xi32>)
    %get3A_270 = arith.constant 288 : index
    %get3A_271 = tpu.vector_load %arg5[%get3A_270] {strides = array<i32>} : memref<1024xf32, #tpu.memory_space<vmem>>, vector<16xf32>,
    %get3A_272 = arith.constant 288 : index
    %get3A_273 = tpu.vector_load %arg6[%get3A_272] {strides = array<i32>} : memref<1024xi32, #tpu.memory_space<vmem>>, vector<16xi32>,
    %masked_sort3A_274 = arith.constant dense<true> : vector<16xi1>
    %masked_sort3A_275, %masked_sort3A_276, %masked_sort3A_277 = tpu.sort %get3A_271, %get3A_273 masked %masked_sort3A_274 {descending = true} : (vector<16xf32>, vector<16xi32>, vector<16xi1>) -> (vector<16xi1>, vector<16xf32>, vector<16xi32>)
    %ge3A_278 = arith.cmpf oge, %masked_sort3A_268, %masked_sort3A_276 : vector<16xf32>
    %select_n3A_279 = arith.select %ge3A_278, %masked_sort3A_268, %masked_sort3A_276 : vector<16xi1>, vector<16xf32>
    %select_n3A_280 = arith.select %ge3A_278, %masked_sort3A_269, %masked_sort3A_277 : vector<16xi1>, vector<16xi32>
    %masked_sort3A_281 = arith.constant dense<true> : vector<16xi1>
    %masked_sort3A_282, %masked_sort3A_283, %masked_sort3A_284 = tpu.sort %select_n3A_279, %select_n3A_280 masked %masked_sort3A_281 : (vector<16xf32>, vector<16xi32>, vector<16xi1>) -> (vector<16xi1>, vector<16xf32>, vector<16xi32>)
    %get3A_285 = arith.constant 304 : index
    %get3A_286 = tpu.vector_load %arg5[%get3A_285] {strides = array<i32>} : memref<1024xf32, #tpu.memory_space<vmem>>, vector<16xf32>,
    %get3A_287 = arith.constant 304 : index
    %get3A_288 = tpu.vector_load %arg6[%get3A_287] {strides = array<i32>} : memref<1024xi32, #tpu.memory_space<vmem>>, vector<16xi32>,
    %masked_sort3A_289 = arith.constant dense<true> : vector<16xi1>
    %masked_sort3A_290, %masked_sort3A_291, %masked_sort3A_292 = tpu.sort %get3A_286, %get3A_288 masked %masked_sort3A_289 {descending = true} : (vector<16xf32>, vector<16xi32>, vector<16xi1>) -> (vector<16xi1>, vector<16xf32>, vector<16xi32>)
    %ge3A_293 = arith.cmpf oge, %masked_sort3A_283, %masked_sort3A_291 : vector<16xf32>
    %select_n3A_294 = arith.select %ge3A_293, %masked_sort3A_283, %masked_sort3A_291 : vector<16xi1>, vector<16xf32>
    %select_n3A_295 = arith.select %ge3A_293, %masked_sort3A_284, %masked_sort3A_292 : vector<16xi1>, vector<16xi32>
    %masked_sort3A_296 = arith.constant dense<true> : vector<16xi1>
    %masked_sort3A_297, %masked_sort3A_298, %masked_sort3A_299 = tpu.sort %select_n3A_294, %select_n3A_295 masked %masked_sort3A_296 : (vector<16xf32>, vector<16xi32>, vector<16xi1>) -> (vector<16xi1>, vector<16xf32>, vector<16xi32>)
    %get3A_300 = arith.constant 320 : index
    %get3A_301 = tpu.vector_load %arg5[%get3A_300] {strides = array<i32>} : memref<1024xf32, #tpu.memory_space<vmem>>, vector<16xf32>,
    %get3A_302 = arith.constant 320 : index
    %get3A_303 = tpu.vector_load %arg6[%get3A_302] {strides = array<i32>} : memref<1024xi32, #tpu.memory_space<vmem>>, vector<16xi32>,
    %masked_sort3A_304 = arith.constant dense<true> : vector<16xi1>
    %masked_sort3A_305, %masked_sort3A_306, %masked_sort3A_307 = tpu.sort %get3A_301, %get3A_303 masked %masked_sort3A_304 {descending = true} : (vector<16xf32>, vector<16xi32>, vector<16xi1>) -> (vector<16xi1>, vector<16xf32>, vector<16xi32>)
    %ge3A_308 = arith.cmpf oge, %masked_sort3A_298, %masked_sort3A_306 : vector<16xf32>
    %select_n3A_309 = arith.select %ge3A_308, %masked_sort3A_298, %masked_sort3A_306 : vector<16xi1>, vector<16xf32>
    %select_n3A_310 = arith.select %ge3A_308, %masked_sort3A_299, %masked_sort3A_307 : vector<16xi1>, vector<16xi32>
    %masked_sort3A_311 = arith.constant dense<true> : vector<16xi1>
    %masked_sort3A_312, %masked_sort3A_313, %masked_sort3A_314 = tpu.sort %select_n3A_309, %select_n3A_310 masked %masked_sort3A_311 : (vector<16xf32>, vector<16xi32>, vector<16xi1>) -> (vector<16xi1>, vector<16xf32>, vector<16xi32>)
    %get3A_315 = arith.constant 336 : index
    %get3A_316 = tpu.vector_load %arg5[%get3A_315] {strides = array<i32>} : memref<1024xf32, #tpu.memory_space<vmem>>, vector<16xf32>,
    %get3A_317 = arith.constant 336 : index
    %get3A_318 = tpu.vector_load %arg6[%get3A_317] {strides = array<i32>} : memref<1024xi32, #tpu.memory_space<vmem>>, vector<16xi32>,
    %masked_sort3A_319 = arith.constant dense<true> : vector<16xi1>
    %masked_sort3A_320, %masked_sort3A_321, %masked_sort3A_322 = tpu.sort %get3A_316, %get3A_318 masked %masked_sort3A_319 {descending = true} : (vector<16xf32>, vector<16xi32>, vector<16xi1>) -> (vector<16xi1>, vector<16xf32>, vector<16xi32>)
    %ge3A_323 = arith.cmpf oge, %masked_sort3A_313, %masked_sort3A_321 : vector<16xf32>
    %select_n3A_324 = arith.select %ge3A_323, %masked_sort3A_313, %masked_sort3A_321 : vector<16xi1>, vector<16xf32>
    %select_n3A_325 = arith.select %ge3A_323, %masked_sort3A_314, %masked_sort3A_322 : vector<16xi1>, vector<16xi32>
    %masked_sort3A_326 = arith.constant dense<true> : vector<16xi1>
    %masked_sort3A_327, %masked_sort3A_328, %masked_sort3A_329 = tpu.sort %select_n3A_324, %select_n3A_325 masked %masked_sort3A_326 : (vector<16xf32>, vector<16xi32>, vector<16xi1>) -> (vector<16xi1>, vector<16xf32>, vector<16xi32>)
    %get3A_330 = arith.constant 352 : index
    %get3A_331 = tpu.vector_load %arg5[%get3A_330] {strides = array<i32>} : memref<1024xf32, #tpu.memory_space<vmem>>, vector<16xf32>,
    %get3A_332 = arith.constant 352 : index
    %get3A_333 = tpu.vector_load %arg6[%get3A_332] {strides = array<i32>} : memref<1024xi32, #tpu.memory_space<vmem>>, vector<16xi32>,
    %masked_sort3A_334 = arith.constant dense<true> : vector<16xi1>
    %masked_sort3A_335, %masked_sort3A_336, %masked_sort3A_337 = tpu.sort %get3A_331, %get3A_333 masked %masked_sort3A_334 {descending = true} : (vector<16xf32>, vector<16xi32>, vector<16xi1>) -> (vector<16xi1>, vector<16xf32>, vector<16xi32>)
    %ge3A_338 = arith.cmpf oge, %masked_sort3A_328, %masked_sort3A_336 : vector<16xf32>
    %select_n3A_339 = arith.select %ge3A_338, %masked_sort3A_328, %masked_sort3A_336 : vector<16xi1>, vector<16xf32>
    %select_n3A_340 = arith.select %ge3A_338, %masked_sort3A_329, %masked_sort3A_337 : vector<16xi1>, vector<16xi32>
    %masked_sort3A_341 = arith.constant dense<true> : vector<16xi1>
    %masked_sort3A_342, %masked_sort3A_343, %masked_sort3A_344 = tpu.sort %select_n3A_339, %select_n3A_340 masked %masked_sort3A_341 : (vector<16xf32>, vector<16xi32>, vector<16xi1>) -> (vector<16xi1>, vector<16xf32>, vector<16xi32>)
    %get3A_345 = arith.constant 368 : index
    %get3A_346 = tpu.vector_load %arg5[%get3A_345] {strides = array<i32>} : memref<1024xf32, #tpu.memory_space<vmem>>, vector<16xf32>,
    %get3A_347 = arith.constant 368 : index
    %get3A_348 = tpu.vector_load %arg6[%get3A_347] {strides = array<i32>} : memref<1024xi32, #tpu.memory_space<vmem>>, vector<16xi32>,
    %masked_sort3A_349 = arith.constant dense<true> : vector<16xi1>
    %masked_sort3A_350, %masked_sort3A_351, %masked_sort3A_352 = tpu.sort %get3A_346, %get3A_348 masked %masked_sort3A_349 {descending = true} : (vector<16xf32>, vector<16xi32>, vector<16xi1>) -> (vector<16xi1>, vector<16xf32>, vector<16xi32>)
    %ge3A_353 = arith.cmpf oge, %masked_sort3A_343, %masked_sort3A_351 : vector<16xf32>
    %select_n3A_354 = arith.select %ge3A_353, %masked_sort3A_343, %masked_sort3A_351 : vector<16xi1>, vector<16xf32>
    %select_n3A_355 = arith.select %ge3A_353, %masked_sort3A_344, %masked_sort3A_352 : vector<16xi1>, vector<16xi32>
    %masked_sort3A_356 = arith.constant dense<true> : vector<16xi1>
    %masked_sort3A_357, %masked_sort3A_358, %masked_sort3A_359 = tpu.sort %select_n3A_354, %select_n3A_355 masked %masked_sort3A_356 : (vector<16xf32>, vector<16xi32>, vector<16xi1>) -> (vector<16xi1>, vector<16xf32>, vector<16xi32>)
    %get3A_360 = arith.constant 384 : index
    %get3A_361 = tpu.vector_load %arg5[%get3A_360] {strides = array<i32>} : memref<1024xf32, #tpu.memory_space<vmem>>, vector<16xf32>,
    %get3A_362 = arith.constant 384 : index
    %get3A_363 = tpu.vector_load %arg6[%get3A_362] {strides = array<i32>} : memref<1024xi32, #tpu.memory_space<vmem>>, vector<16xi32>,
    %masked_sort3A_364 = arith.constant dense<true> : vector<16xi1>
    %masked_sort3A_365, %masked_sort3A_366, %masked_sort3A_367 = tpu.sort %get3A_361, %get3A_363 masked %masked_sort3A_364 {descending = true} : (vector<16xf32>, vector<16xi32>, vector<16xi1>) -> (vector<16xi1>, vector<16xf32>, vector<16xi32>)
    %ge3A_368 = arith.cmpf oge, %masked_sort3A_358, %masked_sort3A_366 : vector<16xf32>
    %select_n3A_369 = arith.select %ge3A_368, %masked_sort3A_358, %masked_sort3A_366 : vector<16xi1>, vector<16xf32>
    %select_n3A_370 = arith.select %ge3A_368, %masked_sort3A_359, %masked_sort3A_367 : vector<16xi1>, vector<16xi32>
    %masked_sort3A_371 = arith.constant dense<true> : vector<16xi1>
    %masked_sort3A_372, %masked_sort3A_373, %masked_sort3A_374 = tpu.sort %select_n3A_369, %select_n3A_370 masked %masked_sort3A_371 : (vector<16xf32>, vector<16xi32>, vector<16xi1>) -> (vector<16xi1>, vector<16xf32>, vector<16xi32>)
    %get3A_375 = arith.constant 400 : index
    %get3A_376 = tpu.vector_load %arg5[%get3A_375] {strides = array<i32>} : memref<1024xf32, #tpu.memory_space<vmem>>, vector<16xf32>,
    %get3A_377 = arith.constant 400 : index
    %get3A_378 = tpu.vector_load %arg6[%get3A_377] {strides = array<i32>} : memref<1024xi32, #tpu.memory_space<vmem>>, vector<16xi32>,
    %masked_sort3A_379 = arith.constant dense<true> : vector<16xi1>
    %masked_sort3A_380, %masked_sort3A_381, %masked_sort3A_382 = tpu.sort %get3A_376, %get3A_378 masked %masked_sort3A_379 {descending = true} : (vector<16xf32>, vector<16xi32>, vector<16xi1>) -> (vector<16xi1>, vector<16xf32>, vector<16xi32>)
    %ge3A_383 = arith.cmpf oge, %masked_sort3A_373, %masked_sort3A_381 : vector<16xf32>
    %select_n3A_384 = arith.select %ge3A_383, %masked_sort3A_373, %masked_sort3A_381 : vector<16xi1>, vector<16xf32>
    %select_n3A_385 = arith.select %ge3A_383, %masked_sort3A_374, %masked_sort3A_382 : vector<16xi1>, vector<16xi32>
    %masked_sort3A_386 = arith.constant dense<true> : vector<16xi1>
    %masked_sort3A_387, %masked_sort3A_388, %masked_sort3A_389 = tpu.sort %select_n3A_384, %select_n3A_385 masked %masked_sort3A_386 : (vector<16xf32>, vector<16xi32>, vector<16xi1>) -> (vector<16xi1>, vector<16xf32>, vector<16xi32>)
    %get3A_390 = arith.constant 416 : index
    %get3A_391 = tpu.vector_load %arg5[%get3A_390] {strides = array<i32>} : memref<1024xf32, #tpu.memory_space<vmem>>, vector<16xf32>,
    %get3A_392 = arith.constant 416 : index
    %get3A_393 = tpu.vector_load %arg6[%get3A_392] {strides = array<i32>} : memref<1024xi32, #tpu.memory_space<vmem>>, vector<16xi32>,
    %masked_sort3A_394 = arith.constant dense<true> : vector<16xi1>
    %masked_sort3A_395, %masked_sort3A_396, %masked_sort3A_397 = tpu.sort %get3A_391, %get3A_393 masked %masked_sort3A_394 {descending = true} : (vector<16xf32>, vector<16xi32>, vector<16xi1>) -> (vector<16xi1>, vector<16xf32>, vector<16xi32>)
    %ge3A_398 = arith.cmpf oge, %masked_sort3A_388, %masked_sort3A_396 : vector<16xf32>
    %select_n3A_399 = arith.select %ge3A_398, %masked_sort3A_388, %masked_sort3A_396 : vector<16xi1>, vector<16xf32>
    %select_n3A_400 = arith.select %ge3A_398, %masked_sort3A_389, %masked_sort3A_397 : vector<16xi1>, vector<16xi32>
    %masked_sort3A_401 = arith.constant dense<true> : vector<16xi1>
    %masked_sort3A_402, %masked_sort3A_403, %masked_sort3A_404 = tpu.sort %select_n3A_399, %select_n3A_400 masked %masked_sort3A_401 : (vector<16xf32>, vector<16xi32>, vector<16xi1>) -> (vector<16xi1>, vector<16xf32>, vector<16xi32>)
    %get3A_405 = arith.constant 432 : index
    %get3A_406 = tpu.vector_load %arg5[%get3A_405] {strides = array<i32>} : memref<1024xf32, #tpu.memory_space<vmem>>, vector<16xf32>,
    %get3A_407 = arith.constant 432 : index
    %get3A_408 = tpu.vector_load %arg6[%get3A_407] {strides = array<i32>} : memref<1024xi32, #tpu.memory_space<vmem>>, vector<16xi32>,
    %masked_sort3A_409 = arith.constant dense<true> : vector<16xi1>
    %masked_sort3A_410, %masked_sort3A_411, %masked_sort3A_412 = tpu.sort %get3A_406, %get3A_408 masked %masked_sort3A_409 {descending = true} : (vector<16xf32>, vector<16xi32>, vector<16xi1>) -> (vector<16xi1>, vector<16xf32>, vector<16xi32>)
    %ge3A_413 = arith.cmpf oge, %masked_sort3A_403, %masked_sort3A_411 : vector<16xf32>
    %select_n3A_414 = arith.select %ge3A_413, %masked_sort3A_403, %masked_sort3A_411 : vector<16xi1>, vector<16xf32>
    %select_n3A_415 = arith.select %ge3A_413, %masked_sort3A_404, %masked_sort3A_412 : vector<16xi1>, vector<16xi32>
    %masked_sort3A_416 = arith.constant dense<true> : vector<16xi1>
    %masked_sort3A_417, %masked_sort3A_418, %masked_sort3A_419 = tpu.sort %select_n3A_414, %select_n3A_415 masked %masked_sort3A_416 : (vector<16xf32>, vector<16xi32>, vector<16xi1>) -> (vector<16xi1>, vector<16xf32>, vector<16xi32>)
    %get3A_420 = arith.constant 448 : index
    %get3A_421 = tpu.vector_load %arg5[%get3A_420] {strides = array<i32>} : memref<1024xf32, #tpu.memory_space<vmem>>, vector<16xf32>,
    %get3A_422 = arith.constant 448 : index
    %get3A_423 = tpu.vector_load %arg6[%get3A_422] {strides = array<i32>} : memref<1024xi32, #tpu.memory_space<vmem>>, vector<16xi32>,
    %masked_sort3A_424 = arith.constant dense<true> : vector<16xi1>
    %masked_sort3A_425, %masked_sort3A_426, %masked_sort3A_427 = tpu.sort %get3A_421, %get3A_423 masked %masked_sort3A_424 {descending = true} : (vector<16xf32>, vector<16xi32>, vector<16xi1>) -> (vector<16xi1>, vector<16xf32>, vector<16xi32>)
    %ge3A_428 = arith.cmpf oge, %masked_sort3A_418, %masked_sort3A_426 : vector<16xf32>
    %select_n3A_429 = arith.select %ge3A_428, %masked_sort3A_418, %masked_sort3A_426 : vector<16xi1>, vector<16xf32>
    %select_n3A_430 = arith.select %ge3A_428, %masked_sort3A_419, %masked_sort3A_427 : vector<16xi1>, vector<16xi32>
    %masked_sort3A_431 = arith.constant dense<true> : vector<16xi1>
    %masked_sort3A_432, %masked_sort3A_433, %masked_sort3A_434 = tpu.sort %select_n3A_429, %select_n3A_430 masked %masked_sort3A_431 : (vector<16xf32>, vector<16xi32>, vector<16xi1>) -> (vector<16xi1>, vector<16xf32>, vector<16xi32>)
    %get3A_435 = arith.constant 464 : index
    %get3A_436 = tpu.vector_load %arg5[%get3A_435] {strides = array<i32>} : memref<1024xf32, #tpu.memory_space<vmem>>, vector<16xf32>,
    %get3A_437 = arith.constant 464 : index
    %get3A_438 = tpu.vector_load %arg6[%get3A_437] {strides = array<i32>} : memref<1024xi32, #tpu.memory_space<vmem>>, vector<16xi32>,
    %masked_sort3A_439 = arith.constant dense<true> : vector<16xi1>
    %masked_sort3A_440, %masked_sort3A_441, %masked_sort3A_442 = tpu.sort %get3A_436, %get3A_438 masked %masked_sort3A_439 {descending = true} : (vector<16xf32>, vector<16xi32>, vector<16xi1>) -> (vector<16xi1>, vector<16xf32>, vector<16xi32>)
    %ge3A_443 = arith.cmpf oge, %masked_sort3A_433, %masked_sort3A_441 : vector<16xf32>
    %select_n3A_444 = arith.select %ge3A_443, %masked_sort3A_433, %masked_sort3A_441 : vector<16xi1>, vector<16xf32>
    %select_n3A_445 = arith.select %ge3A_443, %masked_sort3A_434, %masked_sort3A_442 : vector<16xi1>, vector<16xi32>
    %masked_sort3A_446 = arith.constant dense<true> : vector<16xi1>
    %masked_sort3A_447, %masked_sort3A_448, %masked_sort3A_449 = tpu.sort %select_n3A_444, %select_n3A_445 masked %masked_sort3A_446 : (vector<16xf32>, vector<16xi32>, vector<16xi1>) -> (vector<16xi1>, vector<16xf32>, vector<16xi32>)
    %get3A_450 = arith.constant 480 : index
    %get3A_451 = tpu.vector_load %arg5[%get3A_450] {strides = array<i32>} : memref<1024xf32, #tpu.memory_space<vmem>>, vector<16xf32>,
    %get3A_452 = arith.constant 480 : index
    %get3A_453 = tpu.vector_load %arg6[%get3A_452] {strides = array<i32>} : memref<1024xi32, #tpu.memory_space<vmem>>, vector<16xi32>,
    %masked_sort3A_454 = arith.constant dense<true> : vector<16xi1>
    %masked_sort3A_455, %masked_sort3A_456, %masked_sort3A_457 = tpu.sort %get3A_451, %get3A_453 masked %masked_sort3A_454 {descending = true} : (vector<16xf32>, vector<16xi32>, vector<16xi1>) -> (vector<16xi1>, vector<16xf32>, vector<16xi32>)
    %ge3A_458 = arith.cmpf oge, %masked_sort3A_448, %masked_sort3A_456 : vector<16xf32>
    %select_n3A_459 = arith.select %ge3A_458, %masked_sort3A_448, %masked_sort3A_456 : vector<16xi1>, vector<16xf32>
    %select_n3A_460 = arith.select %ge3A_458, %masked_sort3A_449, %masked_sort3A_457 : vector<16xi1>, vector<16xi32>
    %masked_sort3A_461 = arith.constant dense<true> : vector<16xi1>
    %masked_sort3A_462, %masked_sort3A_463, %masked_sort3A_464 = tpu.sort %select_n3A_459, %select_n3A_460 masked %masked_sort3A_461 : (vector<16xf32>, vector<16xi32>, vector<16xi1>) -> (vector<16xi1>, vector<16xf32>, vector<16xi32>)
    %get3A_465 = arith.constant 496 : index
    %get3A_466 = tpu.vector_load %arg5[%get3A_465] {strides = array<i32>} : memref<1024xf32, #tpu.memory_space<vmem>>, vector<16xf32>,
    %get3A_467 = arith.constant 496 : index
    %get3A_468 = tpu.vector_load %arg6[%get3A_467] {strides = array<i32>} : memref<1024xi32, #tpu.memory_space<vmem>>, vector<16xi32>,
    %masked_sort3A_469 = arith.constant dense<true> : vector<16xi1>
    %masked_sort3A_470, %masked_sort3A_471, %masked_sort3A_472 = tpu.sort %get3A_466, %get3A_468 masked %masked_sort3A_469 {descending = true} : (vector<16xf32>, vector<16xi32>, vector<16xi1>) -> (vector<16xi1>, vector<16xf32>, vector<16xi32>)
    %ge3A_473 = arith.cmpf oge, %masked_sort3A_463, %masked_sort3A_471 : vector<16xf32>
    %select_n3A_474 = arith.select %ge3A_473, %masked_sort3A_463, %masked_sort3A_471 : vector<16xi1>, vector<16xf32>
    %select_n3A_475 = arith.select %ge3A_473, %masked_sort3A_464, %masked_sort3A_472 : vector<16xi1>, vector<16xi32>
    %masked_sort3A_476 = arith.constant dense<true> : vector<16xi1>
    %masked_sort3A_477, %masked_sort3A_478, %masked_sort3A_479 = tpu.sort %select_n3A_474, %select_n3A_475 masked %masked_sort3A_476 : (vector<16xf32>, vector<16xi32>, vector<16xi1>) -> (vector<16xi1>, vector<16xf32>, vector<16xi32>)
    %get3A_480 = arith.constant 512 : index
    %get3A_481 = tpu.vector_load %arg5[%get3A_480] {strides = array<i32>} : memref<1024xf32, #tpu.memory_space<vmem>>, vector<16xf32>,
    %get3A_482 = arith.constant 512 : index
    %get3A_483 = tpu.vector_load %arg6[%get3A_482] {strides = array<i32>} : memref<1024xi32, #tpu.memory_space<vmem>>, vector<16xi32>,
    %masked_sort3A_484 = arith.constant dense<true> : vector<16xi1>
    %masked_sort3A_485, %masked_sort3A_486, %masked_sort3A_487 = tpu.sort %get3A_481, %get3A_483 masked %masked_sort3A_484 {descending = true} : (vector<16xf32>, vector<16xi32>, vector<16xi1>) -> (vector<16xi1>, vector<16xf32>, vector<16xi32>)
    %ge3A_488 = arith.cmpf oge, %masked_sort3A_478, %masked_sort3A_486 : vector<16xf32>
    %select_n3A_489 = arith.select %ge3A_488, %masked_sort3A_478, %masked_sort3A_486 : vector<16xi1>, vector<16xf32>
    %select_n3A_490 = arith.select %ge3A_488, %masked_sort3A_479, %masked_sort3A_487 : vector<16xi1>, vector<16xi32>
    %masked_sort3A_491 = arith.constant dense<true> : vector<16xi1>
    %masked_sort3A_492, %masked_sort3A_493, %masked_sort3A_494 = tpu.sort %select_n3A_489, %select_n3A_490 masked %masked_sort3A_491 : (vector<16xf32>, vector<16xi32>, vector<16xi1>) -> (vector<16xi1>, vector<16xf32>, vector<16xi32>)
    %get3A_495 = arith.constant 528 : index
    %get3A_496 = tpu.vector_load %arg5[%get3A_495] {strides = array<i32>} : memref<1024xf32, #tpu.memory_space<vmem>>, vector<16xf32>,
    %get3A_497 = arith.constant 528 : index
    %get3A_498 = tpu.vector_load %arg6[%get3A_497] {strides = array<i32>} : memref<1024xi32, #tpu.memory_space<vmem>>, vector<16xi32>,
    %masked_sort3A_499 = arith.constant dense<true> : vector<16xi1>
    %masked_sort3A_500, %masked_sort3A_501, %masked_sort3A_502 = tpu.sort %get3A_496, %get3A_498 masked %masked_sort3A_499 {descending = true} : (vector<16xf32>, vector<16xi32>, vector<16xi1>) -> (vector<16xi1>, vector<16xf32>, vector<16xi32>)
    %ge3A_503 = arith.cmpf oge, %masked_sort3A_493, %masked_sort3A_501 : vector<16xf32>
    %select_n3A_504 = arith.select %ge3A_503, %masked_sort3A_493, %masked_sort3A_501 : vector<16xi1>, vector<16xf32>
    %select_n3A_505 = arith.select %ge3A_503, %masked_sort3A_494, %masked_sort3A_502 : vector<16xi1>, vector<16xi32>
    %masked_sort3A_506 = arith.constant dense<true> : vector<16xi1>
    %masked_sort3A_507, %masked_sort3A_508, %masked_sort3A_509 = tpu.sort %select_n3A_504, %select_n3A_505 masked %masked_sort3A_506 : (vector<16xf32>, vector<16xi32>, vector<16xi1>) -> (vector<16xi1>, vector<16xf32>, vector<16xi32>)
    %get3A_510 = arith.constant 544 : index
    %get3A_511 = tpu.vector_load %arg5[%get3A_510] {strides = array<i32>} : memref<1024xf32, #tpu.memory_space<vmem>>, vector<16xf32>,
    %get3A_512 = arith.constant 544 : index
    %get3A_513 = tpu.vector_load %arg6[%get3A_512] {strides = array<i32>} : memref<1024xi32, #tpu.memory_space<vmem>>, vector<16xi32>,
    %masked_sort3A_514 = arith.constant dense<true> : vector<16xi1>
    %masked_sort3A_515, %masked_sort3A_516, %masked_sort3A_517 = tpu.sort %get3A_511, %get3A_513 masked %masked_sort3A_514 {descending = true} : (vector<16xf32>, vector<16xi32>, vector<16xi1>) -> (vector<16xi1>, vector<16xf32>, vector<16xi32>)
    %ge3A_518 = arith.cmpf oge, %masked_sort3A_508, %masked_sort3A_516 : vector<16xf32>
    %select_n3A_519 = arith.select %ge3A_518, %masked_sort3A_508, %masked_sort3A_516 : vector<16xi1>, vector<16xf32>
    %select_n3A_520 = arith.select %ge3A_518, %masked_sort3A_509, %masked_sort3A_517 : vector<16xi1>, vector<16xi32>
    %masked_sort3A_521 = arith.constant dense<true> : vector<16xi1>
    %masked_sort3A_522, %masked_sort3A_523, %masked_sort3A_524 = tpu.sort %select_n3A_519, %select_n3A_520 masked %masked_sort3A_521 : (vector<16xf32>, vector<16xi32>, vector<16xi1>) -> (vector<16xi1>, vector<16xf32>, vector<16xi32>)
    %get3A_525 = arith.constant 560 : index
    %get3A_526 = tpu.vector_load %arg5[%get3A_525] {strides = array<i32>} : memref<1024xf32, #tpu.memory_space<vmem>>, vector<16xf32>,
    %get3A_527 = arith.constant 560 : index
    %get3A_528 = tpu.vector_load %arg6[%get3A_527] {strides = array<i32>} : memref<1024xi32, #tpu.memory_space<vmem>>, vector<16xi32>,
    %masked_sort3A_529 = arith.constant dense<true> : vector<16xi1>
    %masked_sort3A_530, %masked_sort3A_531, %masked_sort3A_532 = tpu.sort %get3A_526, %get3A_528 masked %masked_sort3A_529 {descending = true} : (vector<16xf32>, vector<16xi32>, vector<16xi1>) -> (vector<16xi1>, vector<16xf32>, vector<16xi32>)
    %ge3A_533 = arith.cmpf oge, %masked_sort3A_523, %masked_sort3A_531 : vector<16xf32>
    %select_n3A_534 = arith.select %ge3A_533, %masked_sort3A_523, %masked_sort3A_531 : vector<16xi1>, vector<16xf32>
    %select_n3A_535 = arith.select %ge3A_533, %masked_sort3A_524, %masked_sort3A_532 : vector<16xi1>, vector<16xi32>
    %masked_sort3A_536 = arith.constant dense<true> : vector<16xi1>
    %masked_sort3A_537, %masked_sort3A_538, %masked_sort3A_539 = tpu.sort %select_n3A_534, %select_n3A_535 masked %masked_sort3A_536 : (vector<16xf32>, vector<16xi32>, vector<16xi1>) -> (vector<16xi1>, vector<16xf32>, vector<16xi32>)
    %get3A_540 = arith.constant 576 : index
    %get3A_541 = tpu.vector_load %arg5[%get3A_540] {strides = array<i32>} : memref<1024xf32, #tpu.memory_space<vmem>>, vector<16xf32>,
    %get3A_542 = arith.constant 576 : index
    %get3A_543 = tpu.vector_load %arg6[%get3A_542] {strides = array<i32>} : memref<1024xi32, #tpu.memory_space<vmem>>, vector<16xi32>,
    %masked_sort3A_544 = arith.constant dense<true> : vector<16xi1>
    %masked_sort3A_545, %masked_sort3A_546, %masked_sort3A_547 = tpu.sort %get3A_541, %get3A_543 masked %masked_sort3A_544 {descending = true} : (vector<16xf32>, vector<16xi32>, vector<16xi1>) -> (vector<16xi1>, vector<16xf32>, vector<16xi32>)
    %ge3A_548 = arith.cmpf oge, %masked_sort3A_538, %masked_sort3A_546 : vector<16xf32>
    %select_n3A_549 = arith.select %ge3A_548, %masked_sort3A_538, %masked_sort3A_546 : vector<16xi1>, vector<16xf32>
    %select_n3A_550 = arith.select %ge3A_548, %masked_sort3A_539, %masked_sort3A_547 : vector<16xi1>, vector<16xi32>
    %masked_sort3A_551 = arith.constant dense<true> : vector<16xi1>
    %masked_sort3A_552, %masked_sort3A_553, %masked_sort3A_554 = tpu.sort %select_n3A_549, %select_n3A_550 masked %masked_sort3A_551 : (vector<16xf32>, vector<16xi32>, vector<16xi1>) -> (vector<16xi1>, vector<16xf32>, vector<16xi32>)
    %get3A_555 = arith.constant 592 : index
    %get3A_556 = tpu.vector_load %arg5[%get3A_555] {strides = array<i32>} : memref<1024xf32, #tpu.memory_space<vmem>>, vector<16xf32>,
    %get3A_557 = arith.constant 592 : index
    %get3A_558 = tpu.vector_load %arg6[%get3A_557] {strides = array<i32>} : memref<1024xi32, #tpu.memory_space<vmem>>, vector<16xi32>,
    %masked_sort3A_559 = arith.constant dense<true> : vector<16xi1>
    %masked_sort3A_560, %masked_sort3A_561, %masked_sort3A_562 = tpu.sort %get3A_556, %get3A_558 masked %masked_sort3A_559 {descending = true} : (vector<16xf32>, vector<16xi32>, vector<16xi1>) -> (vector<16xi1>, vector<16xf32>, vector<16xi32>)
    %ge3A_563 = arith.cmpf oge, %masked_sort3A_553, %masked_sort3A_561 : vector<16xf32>
    %select_n3A_564 = arith.select %ge3A_563, %masked_sort3A_553, %masked_sort3A_561 : vector<16xi1>, vector<16xf32>
    %select_n3A_565 = arith.select %ge3A_563, %masked_sort3A_554, %masked_sort3A_562 : vector<16xi1>, vector<16xi32>
    %masked_sort3A_566 = arith.constant dense<true> : vector<16xi1>
    %masked_sort3A_567, %masked_sort3A_568, %masked_sort3A_569 = tpu.sort %select_n3A_564, %select_n3A_565 masked %masked_sort3A_566 : (vector<16xf32>, vector<16xi32>, vector<16xi1>) -> (vector<16xi1>, vector<16xf32>, vector<16xi32>)
    %get3A_570 = arith.constant 608 : index
    %get3A_571 = tpu.vector_load %arg5[%get3A_570] {strides = array<i32>} : memref<1024xf32, #tpu.memory_space<vmem>>, vector<16xf32>,
    %get3A_572 = arith.constant 608 : index
    %get3A_573 = tpu.vector_load %arg6[%get3A_572] {strides = array<i32>} : memref<1024xi32, #tpu.memory_space<vmem>>, vector<16xi32>,
    %masked_sort3A_574 = arith.constant dense<true> : vector<16xi1>
    %masked_sort3A_575, %masked_sort3A_576, %masked_sort3A_577 = tpu.sort %get3A_571, %get3A_573 masked %masked_sort3A_574 {descending = true} : (vector<16xf32>, vector<16xi32>, vector<16xi1>) -> (vector<16xi1>, vector<16xf32>, vector<16xi32>)
    %ge3A_578 = arith.cmpf oge, %masked_sort3A_568, %masked_sort3A_576 : vector<16xf32>
    %select_n3A_579 = arith.select %ge3A_578, %masked_sort3A_568, %masked_sort3A_576 : vector<16xi1>, vector<16xf32>
    %select_n3A_580 = arith.select %ge3A_578, %masked_sort3A_569, %masked_sort3A_577 : vector<16xi1>, vector<16xi32>
    %masked_sort3A_581 = arith.constant dense<true> : vector<16xi1>
    %masked_sort3A_582, %masked_sort3A_583, %masked_sort3A_584 = tpu.sort %select_n3A_579, %select_n3A_580 masked %masked_sort3A_581 : (vector<16xf32>, vector<16xi32>, vector<16xi1>) -> (vector<16xi1>, vector<16xf32>, vector<16xi32>)
    %get3A_585 = arith.constant 624 : index
    %get3A_586 = tpu.vector_load %arg5[%get3A_585] {strides = array<i32>} : memref<1024xf32, #tpu.memory_space<vmem>>, vector<16xf32>,
    %get3A_587 = arith.constant 624 : index
    %get3A_588 = tpu.vector_load %arg6[%get3A_587] {strides = array<i32>} : memref<1024xi32, #tpu.memory_space<vmem>>, vector<16xi32>,
    %masked_sort3A_589 = arith.constant dense<true> : vector<16xi1>
    %masked_sort3A_590, %masked_sort3A_591, %masked_sort3A_592 = tpu.sort %get3A_586, %get3A_588 masked %masked_sort3A_589 {descending = true} : (vector<16xf32>, vector<16xi32>, vector<16xi1>) -> (vector<16xi1>, vector<16xf32>, vector<16xi32>)
    %ge3A_593 = arith.cmpf oge, %masked_sort3A_583, %masked_sort3A_591 : vector<16xf32>
    %select_n3A_594 = arith.select %ge3A_593, %masked_sort3A_583, %masked_sort3A_591 : vector<16xi1>, vector<16xf32>
    %select_n3A_595 = arith.select %ge3A_593, %masked_sort3A_584, %masked_sort3A_592 : vector<16xi1>, vector<16xi32>
    %masked_sort3A_596 = arith.constant dense<true> : vector<16xi1>
    %masked_sort3A_597, %masked_sort3A_598, %masked_sort3A_599 = tpu.sort %select_n3A_594, %select_n3A_595 masked %masked_sort3A_596 : (vector<16xf32>, vector<16xi32>, vector<16xi1>) -> (vector<16xi1>, vector<16xf32>, vector<16xi32>)
    %get3A_600 = arith.constant 640 : index
    %get3A_601 = tpu.vector_load %arg5[%get3A_600] {strides = array<i32>} : memref<1024xf32, #tpu.memory_space<vmem>>, vector<16xf32>,
    %get3A_602 = arith.constant 640 : index
    %get3A_603 = tpu.vector_load %arg6[%get3A_602] {strides = array<i32>} : memref<1024xi32, #tpu.memory_space<vmem>>, vector<16xi32>,
    %masked_sort3A_604 = arith.constant dense<true> : vector<16xi1>
    %masked_sort3A_605, %masked_sort3A_606, %masked_sort3A_607 = tpu.sort %get3A_601, %get3A_603 masked %masked_sort3A_604 {descending = true} : (vector<16xf32>, vector<16xi32>, vector<16xi1>) -> (vector<16xi1>, vector<16xf32>, vector<16xi32>)
    %ge3A_608 = arith.cmpf oge, %masked_sort3A_598, %masked_sort3A_606 : vector<16xf32>
    %select_n3A_609 = arith.select %ge3A_608, %masked_sort3A_598, %masked_sort3A_606 : vector<16xi1>, vector<16xf32>
    %select_n3A_610 = arith.select %ge3A_608, %masked_sort3A_599, %masked_sort3A_607 : vector<16xi1>, vector<16xi32>
    %masked_sort3A_611 = arith.constant dense<true> : vector<16xi1>
    %masked_sort3A_612, %masked_sort3A_613, %masked_sort3A_614 = tpu.sort %select_n3A_609, %select_n3A_610 masked %masked_sort3A_611 : (vector<16xf32>, vector<16xi32>, vector<16xi1>) -> (vector<16xi1>, vector<16xf32>, vector<16xi32>)
    %get3A_615 = arith.constant 656 : index
    %get3A_616 = tpu.vector_load %arg5[%get3A_615] {strides = array<i32>} : memref<1024xf32, #tpu.memory_space<vmem>>, vector<16xf32>,
    %get3A_617 = arith.constant 656 : index
    %get3A_618 = tpu.vector_load %arg6[%get3A_617] {strides = array<i32>} : memref<1024xi32, #tpu.memory_space<vmem>>, vector<16xi32>,
    %masked_sort3A_619 = arith.constant dense<true> : vector<16xi1>
    %masked_sort3A_620, %masked_sort3A_621, %masked_sort3A_622 = tpu.sort %get3A_616, %get3A_618 masked %masked_sort3A_619 {descending = true} : (vector<16xf32>, vector<16xi32>, vector<16xi1>) -> (vector<16xi1>, vector<16xf32>, vector<16xi32>)
    %ge3A_623 = arith.cmpf oge, %masked_sort3A_613, %masked_sort3A_621 : vector<16xf32>
    %select_n3A_624 = arith.select %ge3A_623, %masked_sort3A_613, %masked_sort3A_621 : vector<16xi1>, vector<16xf32>
    %select_n3A_625 = arith.select %ge3A_623, %masked_sort3A_614, %masked_sort3A_622 : vector<16xi1>, vector<16xi32>
    %masked_sort3A_626 = arith.constant dense<true> : vector<16xi1>
    %masked_sort3A_627, %masked_sort3A_628, %masked_sort3A_629 = tpu.sort %select_n3A_624, %select_n3A_625 masked %masked_sort3A_626 : (vector<16xf32>, vector<16xi32>, vector<16xi1>) -> (vector<16xi1>, vector<16xf32>, vector<16xi32>)
    %get3A_630 = arith.constant 672 : index
    %get3A_631 = tpu.vector_load %arg5[%get3A_630] {strides = array<i32>} : memref<1024xf32, #tpu.memory_space<vmem>>, vector<16xf32>,
    %get3A_632 = arith.constant 672 : index
    %get3A_633 = tpu.vector_load %arg6[%get3A_632] {strides = array<i32>} : memref<1024xi32, #tpu.memory_space<vmem>>, vector<16xi32>,
    %masked_sort3A_634 = arith.constant dense<true> : vector<16xi1>
    %masked_sort3A_635, %masked_sort3A_636, %masked_sort3A_637 = tpu.sort %get3A_631, %get3A_633 masked %masked_sort3A_634 {descending = true} : (vector<16xf32>, vector<16xi32>, vector<16xi1>) -> (vector<16xi1>, vector<16xf32>, vector<16xi32>)
    %ge3A_638 = arith.cmpf oge, %masked_sort3A_628, %masked_sort3A_636 : vector<16xf32>
    %select_n3A_639 = arith.select %ge3A_638, %masked_sort3A_628, %masked_sort3A_636 : vector<16xi1>, vector<16xf32>
    %select_n3A_640 = arith.select %ge3A_638, %masked_sort3A_629, %masked_sort3A_637 : vector<16xi1>, vector<16xi32>
    %masked_sort3A_641 = arith.constant dense<true> : vector<16xi1>
    %masked_sort3A_642, %masked_sort3A_643, %masked_sort3A_644 = tpu.sort %select_n3A_639, %select_n3A_640 masked %masked_sort3A_641 : (vector<16xf32>, vector<16xi32>, vector<16xi1>) -> (vector<16xi1>, vector<16xf32>, vector<16xi32>)
    %get3A_645 = arith.constant 688 : index
    %get3A_646 = tpu.vector_load %arg5[%get3A_645] {strides = array<i32>} : memref<1024xf32, #tpu.memory_space<vmem>>, vector<16xf32>,
    %get3A_647 = arith.constant 688 : index
    %get3A_648 = tpu.vector_load %arg6[%get3A_647] {strides = array<i32>} : memref<1024xi32, #tpu.memory_space<vmem>>, vector<16xi32>,
    %masked_sort3A_649 = arith.constant dense<true> : vector<16xi1>
    %masked_sort3A_650, %masked_sort3A_651, %masked_sort3A_652 = tpu.sort %get3A_646, %get3A_648 masked %masked_sort3A_649 {descending = true} : (vector<16xf32>, vector<16xi32>, vector<16xi1>) -> (vector<16xi1>, vector<16xf32>, vector<16xi32>)
    %ge3A_653 = arith.cmpf oge, %masked_sort3A_643, %masked_sort3A_651 : vector<16xf32>
    %select_n3A_654 = arith.select %ge3A_653, %masked_sort3A_643, %masked_sort3A_651 : vector<16xi1>, vector<16xf32>
    %select_n3A_655 = arith.select %ge3A_653, %masked_sort3A_644, %masked_sort3A_652 : vector<16xi1>, vector<16xi32>
    %masked_sort3A_656 = arith.constant dense<true> : vector<16xi1>
    %masked_sort3A_657, %masked_sort3A_658, %masked_sort3A_659 = tpu.sort %select_n3A_654, %select_n3A_655 masked %masked_sort3A_656 : (vector<16xf32>, vector<16xi32>, vector<16xi1>) -> (vector<16xi1>, vector<16xf32>, vector<16xi32>)
    %get3A_660 = arith.constant 704 : index
    %get3A_661 = tpu.vector_load %arg5[%get3A_660] {strides = array<i32>} : memref<1024xf32, #tpu.memory_space<vmem>>, vector<16xf32>,
    %get3A_662 = arith.constant 704 : index
    %get3A_663 = tpu.vector_load %arg6[%get3A_662] {strides = array<i32>} : memref<1024xi32, #tpu.memory_space<vmem>>, vector<16xi32>,
    %masked_sort3A_664 = arith.constant dense<true> : vector<16xi1>
    %masked_sort3A_665, %masked_sort3A_666, %masked_sort3A_667 = tpu.sort %get3A_661, %get3A_663 masked %masked_sort3A_664 {descending = true} : (vector<16xf32>, vector<16xi32>, vector<16xi1>) -> (vector<16xi1>, vector<16xf32>, vector<16xi32>)
    %ge3A_668 = arith.cmpf oge, %masked_sort3A_658, %masked_sort3A_666 : vector<16xf32>
    %select_n3A_669 = arith.select %ge3A_668, %masked_sort3A_658, %masked_sort3A_666 : vector<16xi1>, vector<16xf32>
    %select_n3A_670 = arith.select %ge3A_668, %masked_sort3A_659, %masked_sort3A_667 : vector<16xi1>, vector<16xi32>
    %masked_sort3A_671 = arith.constant dense<true> : vector<16xi1>
    %masked_sort3A_672, %masked_sort3A_673, %masked_sort3A_674 = tpu.sort %select_n3A_669, %select_n3A_670 masked %masked_sort3A_671 : (vector<16xf32>, vector<16xi32>, vector<16xi1>) -> (vector<16xi1>, vector<16xf32>, vector<16xi32>)
    %get3A_675 = arith.constant 720 : index
    %get3A_676 = tpu.vector_load %arg5[%get3A_675] {strides = array<i32>} : memref<1024xf32, #tpu.memory_space<vmem>>, vector<16xf32>,
    %get3A_677 = arith.constant 720 : index
    %get3A_678 = tpu.vector_load %arg6[%get3A_677] {strides = array<i32>} : memref<1024xi32, #tpu.memory_space<vmem>>, vector<16xi32>,
    %masked_sort3A_679 = arith.constant dense<true> : vector<16xi1>
    %masked_sort3A_680, %masked_sort3A_681, %masked_sort3A_682 = tpu.sort %get3A_676, %get3A_678 masked %masked_sort3A_679 {descending = true} : (vector<16xf32>, vector<16xi32>, vector<16xi1>) -> (vector<16xi1>, vector<16xf32>, vector<16xi32>)
    %ge3A_683 = arith.cmpf oge, %masked_sort3A_673, %masked_sort3A_681 : vector<16xf32>
    %select_n3A_684 = arith.select %ge3A_683, %masked_sort3A_673, %masked_sort3A_681 : vector<16xi1>, vector<16xf32>
    %select_n3A_685 = arith.select %ge3A_683, %masked_sort3A_674, %masked_sort3A_682 : vector<16xi1>, vector<16xi32>
    %masked_sort3A_686 = arith.constant dense<true> : vector<16xi1>
    %masked_sort3A_687, %masked_sort3A_688, %masked_sort3A_689 = tpu.sort %select_n3A_684, %select_n3A_685 masked %masked_sort3A_686 : (vector<16xf32>, vector<16xi32>, vector<16xi1>) -> (vector<16xi1>, vector<16xf32>, vector<16xi32>)
    %get3A_690 = arith.constant 736 : index
    %get3A_691 = tpu.vector_load %arg5[%get3A_690] {strides = array<i32>} : memref<1024xf32, #tpu.memory_space<vmem>>, vector<16xf32>,
    %get3A_692 = arith.constant 736 : index
    %get3A_693 = tpu.vector_load %arg6[%get3A_692] {strides = array<i32>} : memref<1024xi32, #tpu.memory_space<vmem>>, vector<16xi32>,
    %masked_sort3A_694 = arith.constant dense<true> : vector<16xi1>
    %masked_sort3A_695, %masked_sort3A_696, %masked_sort3A_697 = tpu.sort %get3A_691, %get3A_693 masked %masked_sort3A_694 {descending = true} : (vector<16xf32>, vector<16xi32>, vector<16xi1>) -> (vector<16xi1>, vector<16xf32>, vector<16xi32>)
    %ge3A_698 = arith.cmpf oge, %masked_sort3A_688, %masked_sort3A_696 : vector<16xf32>
    %select_n3A_699 = arith.select %ge3A_698, %masked_sort3A_688, %masked_sort3A_696 : vector<16xi1>, vector<16xf32>
    %select_n3A_700 = arith.select %ge3A_698, %masked_sort3A_689, %masked_sort3A_697 : vector<16xi1>, vector<16xi32>
    %masked_sort3A_701 = arith.constant dense<true> : vector<16xi1>
    %masked_sort3A_702, %masked_sort3A_703, %masked_sort3A_704 = tpu.sort %select_n3A_699, %select_n3A_700 masked %masked_sort3A_701 : (vector<16xf32>, vector<16xi32>, vector<16xi1>) -> (vector<16xi1>, vector<16xf32>, vector<16xi32>)
    %get3A_705 = arith.constant 752 : index
    %get3A_706 = tpu.vector_load %arg5[%get3A_705] {strides = array<i32>} : memref<1024xf32, #tpu.memory_space<vmem>>, vector<16xf32>,
    %get3A_707 = arith.constant 752 : index
    %get3A_708 = tpu.vector_load %arg6[%get3A_707] {strides = array<i32>} : memref<1024xi32, #tpu.memory_space<vmem>>, vector<16xi32>,
    %masked_sort3A_709 = arith.constant dense<true> : vector<16xi1>
    %masked_sort3A_710, %masked_sort3A_711, %masked_sort3A_712 = tpu.sort %get3A_706, %get3A_708 masked %masked_sort3A_709 {descending = true} : (vector<16xf32>, vector<16xi32>, vector<16xi1>) -> (vector<16xi1>, vector<16xf32>, vector<16xi32>)
    %ge3A_713 = arith.cmpf oge, %masked_sort3A_703, %masked_sort3A_711 : vector<16xf32>
    %select_n3A_714 = arith.select %ge3A_713, %masked_sort3A_703, %masked_sort3A_711 : vector<16xi1>, vector<16xf32>
    %select_n3A_715 = arith.select %ge3A_713, %masked_sort3A_704, %masked_sort3A_712 : vector<16xi1>, vector<16xi32>
    %masked_sort3A_716 = arith.constant dense<true> : vector<16xi1>
    %masked_sort3A_717, %masked_sort3A_718, %masked_sort3A_719 = tpu.sort %select_n3A_714, %select_n3A_715 masked %masked_sort3A_716 : (vector<16xf32>, vector<16xi32>, vector<16xi1>) -> (vector<16xi1>, vector<16xf32>, vector<16xi32>)
    %get3A_720 = arith.constant 768 : index
    %get3A_721 = tpu.vector_load %arg5[%get3A_720] {strides = array<i32>} : memref<1024xf32, #tpu.memory_space<vmem>>, vector<16xf32>,
    %get3A_722 = arith.constant 768 : index
    %get3A_723 = tpu.vector_load %arg6[%get3A_722] {strides = array<i32>} : memref<1024xi32, #tpu.memory_space<vmem>>, vector<16xi32>,
    %masked_sort3A_724 = arith.constant dense<true> : vector<16xi1>
    %masked_sort3A_725, %masked_sort3A_726, %masked_sort3A_727 = tpu.sort %get3A_721, %get3A_723 masked %masked_sort3A_724 {descending = true} : (vector<16xf32>, vector<16xi32>, vector<16xi1>) -> (vector<16xi1>, vector<16xf32>, vector<16xi32>)
    %ge3A_728 = arith.cmpf oge, %masked_sort3A_718, %masked_sort3A_726 : vector<16xf32>
    %select_n3A_729 = arith.select %ge3A_728, %masked_sort3A_718, %masked_sort3A_726 : vector<16xi1>, vector<16xf32>
    %select_n3A_730 = arith.select %ge3A_728, %masked_sort3A_719, %masked_sort3A_727 : vector<16xi1>, vector<16xi32>
    %masked_sort3A_731 = arith.constant dense<true> : vector<16xi1>
    %masked_sort3A_732, %masked_sort3A_733, %masked_sort3A_734 = tpu.sort %select_n3A_729, %select_n3A_730 masked %masked_sort3A_731 : (vector<16xf32>, vector<16xi32>, vector<16xi1>) -> (vector<16xi1>, vector<16xf32>, vector<16xi32>)
    %get3A_735 = arith.constant 784 : index
    %get3A_736 = tpu.vector_load %arg5[%get3A_735] {strides = array<i32>} : memref<1024xf32, #tpu.memory_space<vmem>>, vector<16xf32>,
    %get3A_737 = arith.constant 784 : index
    %get3A_738 = tpu.vector_load %arg6[%get3A_737] {strides = array<i32>} : memref<1024xi32, #tpu.memory_space<vmem>>, vector<16xi32>,
    %masked_sort3A_739 = arith.constant dense<true> : vector<16xi1>
    %masked_sort3A_740, %masked_sort3A_741, %masked_sort3A_742 = tpu.sort %get3A_736, %get3A_738 masked %masked_sort3A_739 {descending = true} : (vector<16xf32>, vector<16xi32>, vector<16xi1>) -> (vector<16xi1>, vector<16xf32>, vector<16xi32>)
    %ge3A_743 = arith.cmpf oge, %masked_sort3A_733, %masked_sort3A_741 : vector<16xf32>
    %select_n3A_744 = arith.select %ge3A_743, %masked_sort3A_733, %masked_sort3A_741 : vector<16xi1>, vector<16xf32>
    %select_n3A_745 = arith.select %ge3A_743, %masked_sort3A_734, %masked_sort3A_742 : vector<16xi1>, vector<16xi32>
    %masked_sort3A_746 = arith.constant dense<true> : vector<16xi1>
    %masked_sort3A_747, %masked_sort3A_748, %masked_sort3A_749 = tpu.sort %select_n3A_744, %select_n3A_745 masked %masked_sort3A_746 : (vector<16xf32>, vector<16xi32>, vector<16xi1>) -> (vector<16xi1>, vector<16xf32>, vector<16xi32>)
    %get3A_750 = arith.constant 800 : index
    %get3A_751 = tpu.vector_load %arg5[%get3A_750] {strides = array<i32>} : memref<1024xf32, #tpu.memory_space<vmem>>, vector<16xf32>,
    %get3A_752 = arith.constant 800 : index
    %get3A_753 = tpu.vector_load %arg6[%get3A_752] {strides = array<i32>} : memref<1024xi32, #tpu.memory_space<vmem>>, vector<16xi32>,
    %masked_sort3A_754 = arith.constant dense<true> : vector<16xi1>
    %masked_sort3A_755, %masked_sort3A_756, %masked_sort3A_757 = tpu.sort %get3A_751, %get3A_753 masked %masked_sort3A_754 {descending = true} : (vector<16xf32>, vector<16xi32>, vector<16xi1>) -> (vector<16xi1>, vector<16xf32>, vector<16xi32>)
    %ge3A_758 = arith.cmpf oge, %masked_sort3A_748, %masked_sort3A_756 : vector<16xf32>
    %select_n3A_759 = arith.select %ge3A_758, %masked_sort3A_748, %masked_sort3A_756 : vector<16xi1>, vector<16xf32>
    %select_n3A_760 = arith.select %ge3A_758, %masked_sort3A_749, %masked_sort3A_757 : vector<16xi1>, vector<16xi32>
    %masked_sort3A_761 = arith.constant dense<true> : vector<16xi1>
    %masked_sort3A_762, %masked_sort3A_763, %masked_sort3A_764 = tpu.sort %select_n3A_759, %select_n3A_760 masked %masked_sort3A_761 : (vector<16xf32>, vector<16xi32>, vector<16xi1>) -> (vector<16xi1>, vector<16xf32>, vector<16xi32>)
    %get3A_765 = arith.constant 816 : index
    %get3A_766 = tpu.vector_load %arg5[%get3A_765] {strides = array<i32>} : memref<1024xf32, #tpu.memory_space<vmem>>, vector<16xf32>,
    %get3A_767 = arith.constant 816 : index
    %get3A_768 = tpu.vector_load %arg6[%get3A_767] {strides = array<i32>} : memref<1024xi32, #tpu.memory_space<vmem>>, vector<16xi32>,
    %masked_sort3A_769 = arith.constant dense<true> : vector<16xi1>
    %masked_sort3A_770, %masked_sort3A_771, %masked_sort3A_772 = tpu.sort %get3A_766, %get3A_768 masked %masked_sort3A_769 {descending = true} : (vector<16xf32>, vector<16xi32>, vector<16xi1>) -> (vector<16xi1>, vector<16xf32>, vector<16xi32>)
    %ge3A_773 = arith.cmpf oge, %masked_sort3A_763, %masked_sort3A_771 : vector<16xf32>
    %select_n3A_774 = arith.select %ge3A_773, %masked_sort3A_763, %masked_sort3A_771 : vector<16xi1>, vector<16xf32>
    %select_n3A_775 = arith.select %ge3A_773, %masked_sort3A_764, %masked_sort3A_772 : vector<16xi1>, vector<16xi32>
    %masked_sort3A_776 = arith.constant dense<true> : vector<16xi1>
    %masked_sort3A_777, %masked_sort3A_778, %masked_sort3A_779 = tpu.sort %select_n3A_774, %select_n3A_775 masked %masked_sort3A_776 : (vector<16xf32>, vector<16xi32>, vector<16xi1>) -> (vector<16xi1>, vector<16xf32>, vector<16xi32>)
    %get3A_780 = arith.constant 832 : index
    %get3A_781 = tpu.vector_load %arg5[%get3A_780] {strides = array<i32>} : memref<1024xf32, #tpu.memory_space<vmem>>, vector<16xf32>,
    %get3A_782 = arith.constant 832 : index
    %get3A_783 = tpu.vector_load %arg6[%get3A_782] {strides = array<i32>} : memref<1024xi32, #tpu.memory_space<vmem>>, vector<16xi32>,
    %masked_sort3A_784 = arith.constant dense<true> : vector<16xi1>
    %masked_sort3A_785, %masked_sort3A_786, %masked_sort3A_787 = tpu.sort %get3A_781, %get3A_783 masked %masked_sort3A_784 {descending = true} : (vector<16xf32>, vector<16xi32>, vector<16xi1>) -> (vector<16xi1>, vector<16xf32>, vector<16xi32>)
    %ge3A_788 = arith.cmpf oge, %masked_sort3A_778, %masked_sort3A_786 : vector<16xf32>
    %select_n3A_789 = arith.select %ge3A_788, %masked_sort3A_778, %masked_sort3A_786 : vector<16xi1>, vector<16xf32>
    %select_n3A_790 = arith.select %ge3A_788, %masked_sort3A_779, %masked_sort3A_787 : vector<16xi1>, vector<16xi32>
    %masked_sort3A_791 = arith.constant dense<true> : vector<16xi1>
    %masked_sort3A_792, %masked_sort3A_793, %masked_sort3A_794 = tpu.sort %select_n3A_789, %select_n3A_790 masked %masked_sort3A_791 : (vector<16xf32>, vector<16xi32>, vector<16xi1>) -> (vector<16xi1>, vector<16xf32>, vector<16xi32>)
    %get3A_795 = arith.constant 848 : index
    %get3A_796 = tpu.vector_load %arg5[%get3A_795] {strides = array<i32>} : memref<1024xf32, #tpu.memory_space<vmem>>, vector<16xf32>,
    %get3A_797 = arith.constant 848 : index
    %get3A_798 = tpu.vector_load %arg6[%get3A_797] {strides = array<i32>} : memref<1024xi32, #tpu.memory_space<vmem>>, vector<16xi32>,
    %masked_sort3A_799 = arith.constant dense<true> : vector<16xi1>
    %masked_sort3A_800, %masked_sort3A_801, %masked_sort3A_802 = tpu.sort %get3A_796, %get3A_798 masked %masked_sort3A_799 {descending = true} : (vector<16xf32>, vector<16xi32>, vector<16xi1>) -> (vector<16xi1>, vector<16xf32>, vector<16xi32>)
    %ge3A_803 = arith.cmpf oge, %masked_sort3A_793, %masked_sort3A_801 : vector<16xf32>
    %select_n3A_804 = arith.select %ge3A_803, %masked_sort3A_793, %masked_sort3A_801 : vector<16xi1>, vector<16xf32>
    %select_n3A_805 = arith.select %ge3A_803, %masked_sort3A_794, %masked_sort3A_802 : vector<16xi1>, vector<16xi32>
    %masked_sort3A_806 = arith.constant dense<true> : vector<16xi1>
    %masked_sort3A_807, %masked_sort3A_808, %masked_sort3A_809 = tpu.sort %select_n3A_804, %select_n3A_805 masked %masked_sort3A_806 : (vector<16xf32>, vector<16xi32>, vector<16xi1>) -> (vector<16xi1>, vector<16xf32>, vector<16xi32>)
    %get3A_810 = arith.constant 864 : index
    %get3A_811 = tpu.vector_load %arg5[%get3A_810] {strides = array<i32>} : memref<1024xf32, #tpu.memory_space<vmem>>, vector<16xf32>,
    %get3A_812 = arith.constant 864 : index
    %get3A_813 = tpu.vector_load %arg6[%get3A_812] {strides = array<i32>} : memref<1024xi32, #tpu.memory_space<vmem>>, vector<16xi32>,
    %masked_sort3A_814 = arith.constant dense<true> : vector<16xi1>
    %masked_sort3A_815, %masked_sort3A_816, %masked_sort3A_817 = tpu.sort %get3A_811, %get3A_813 masked %masked_sort3A_814 {descending = true} : (vector<16xf32>, vector<16xi32>, vector<16xi1>) -> (vector<16xi1>, vector<16xf32>, vector<16xi32>)
    %ge3A_818 = arith.cmpf oge, %masked_sort3A_808, %masked_sort3A_816 : vector<16xf32>
    %select_n3A_819 = arith.select %ge3A_818, %masked_sort3A_808, %masked_sort3A_816 : vector<16xi1>, vector<16xf32>
    %select_n3A_820 = arith.select %ge3A_818, %masked_sort3A_809, %masked_sort3A_817 : vector<16xi1>, vector<16xi32>
    %masked_sort3A_821 = arith.constant dense<true> : vector<16xi1>
    %masked_sort3A_822, %masked_sort3A_823, %masked_sort3A_824 = tpu.sort %select_n3A_819, %select_n3A_820 masked %masked_sort3A_821 : (vector<16xf32>, vector<16xi32>, vector<16xi1>) -> (vector<16xi1>, vector<16xf32>, vector<16xi32>)
    %get3A_825 = arith.constant 880 : index
    %get3A_826 = tpu.vector_load %arg5[%get3A_825] {strides = array<i32>} : memref<1024xf32, #tpu.memory_space<vmem>>, vector<16xf32>,
    %get3A_827 = arith.constant 880 : index
    %get3A_828 = tpu.vector_load %arg6[%get3A_827] {strides = array<i32>} : memref<1024xi32, #tpu.memory_space<vmem>>, vector<16xi32>,
    %masked_sort3A_829 = arith.constant dense<true> : vector<16xi1>
    %masked_sort3A_830, %masked_sort3A_831, %masked_sort3A_832 = tpu.sort %get3A_826, %get3A_828 masked %masked_sort3A_829 {descending = true} : (vector<16xf32>, vector<16xi32>, vector<16xi1>) -> (vector<16xi1>, vector<16xf32>, vector<16xi32>)
    %ge3A_833 = arith.cmpf oge, %masked_sort3A_823, %masked_sort3A_831 : vector<16xf32>
    %select_n3A_834 = arith.select %ge3A_833, %masked_sort3A_823, %masked_sort3A_831 : vector<16xi1>, vector<16xf32>
    %select_n3A_835 = arith.select %ge3A_833, %masked_sort3A_824, %masked_sort3A_832 : vector<16xi1>, vector<16xi32>
    %masked_sort3A_836 = arith.constant dense<true> : vector<16xi1>
    %masked_sort3A_837, %masked_sort3A_838, %masked_sort3A_839 = tpu.sort %select_n3A_834, %select_n3A_835 masked %masked_sort3A_836 : (vector<16xf32>, vector<16xi32>, vector<16xi1>) -> (vector<16xi1>, vector<16xf32>, vector<16xi32>)
    %get3A_840 = arith.constant 896 : index
    %get3A_841 = tpu.vector_load %arg5[%get3A_840] {strides = array<i32>} : memref<1024xf32, #tpu.memory_space<vmem>>, vector<16xf32>,
    %get3A_842 = arith.constant 896 : index
    %get3A_843 = tpu.vector_load %arg6[%get3A_842] {strides = array<i32>} : memref<1024xi32, #tpu.memory_space<vmem>>, vector<16xi32>,
    %masked_sort3A_844 = arith.constant dense<true> : vector<16xi1>
    %masked_sort3A_845, %masked_sort3A_846, %masked_sort3A_847 = tpu.sort %get3A_841, %get3A_843 masked %masked_sort3A_844 {descending = true} : (vector<16xf32>, vector<16xi32>, vector<16xi1>) -> (vector<16xi1>, vector<16xf32>, vector<16xi32>)
    %ge3A_848 = arith.cmpf oge, %masked_sort3A_838, %masked_sort3A_846 : vector<16xf32>
    %select_n3A_849 = arith.select %ge3A_848, %masked_sort3A_838, %masked_sort3A_846 : vector<16xi1>, vector<16xf32>
    %select_n3A_850 = arith.select %ge3A_848, %masked_sort3A_839, %masked_sort3A_847 : vector<16xi1>, vector<16xi32>
    %masked_sort3A_851 = arith.constant dense<true> : vector<16xi1>
    %masked_sort3A_852, %masked_sort3A_853, %masked_sort3A_854 = tpu.sort %select_n3A_849, %select_n3A_850 masked %masked_sort3A_851 : (vector<16xf32>, vector<16xi32>, vector<16xi1>) -> (vector<16xi1>, vector<16xf32>, vector<16xi32>)
    %get3A_855 = arith.constant 912 : index
    %get3A_856 = tpu.vector_load %arg5[%get3A_855] {strides = array<i32>} : memref<1024xf32, #tpu.memory_space<vmem>>, vector<16xf32>,
    %get3A_857 = arith.constant 912 : index
    %get3A_858 = tpu.vector_load %arg6[%get3A_857] {strides = array<i32>} : memref<1024xi32, #tpu.memory_space<vmem>>, vector<16xi32>,
    %masked_sort3A_859 = arith.constant dense<true> : vector<16xi1>
    %masked_sort3A_860, %masked_sort3A_861, %masked_sort3A_862 = tpu.sort %get3A_856, %get3A_858 masked %masked_sort3A_859 {descending = true} : (vector<16xf32>, vector<16xi32>, vector<16xi1>) -> (vector<16xi1>, vector<16xf32>, vector<16xi32>)
    %ge3A_863 = arith.cmpf oge, %masked_sort3A_853, %masked_sort3A_861 : vector<16xf32>
    %select_n3A_864 = arith.select %ge3A_863, %masked_sort3A_853, %masked_sort3A_861 : vector<16xi1>, vector<16xf32>
    %select_n3A_865 = arith.select %ge3A_863, %masked_sort3A_854, %masked_sort3A_862 : vector<16xi1>, vector<16xi32>
    %masked_sort3A_866 = arith.constant dense<true> : vector<16xi1>
    %masked_sort3A_867, %masked_sort3A_868, %masked_sort3A_869 = tpu.sort %select_n3A_864, %select_n3A_865 masked %masked_sort3A_866 : (vector<16xf32>, vector<16xi32>, vector<16xi1>) -> (vector<16xi1>, vector<16xf32>, vector<16xi32>)
    %get3A_870 = arith.constant 928 : index
    %get3A_871 = tpu.vector_load %arg5[%get3A_870] {strides = array<i32>} : memref<1024xf32, #tpu.memory_space<vmem>>, vector<16xf32>,
    %get3A_872 = arith.constant 928 : index
    %get3A_873 = tpu.vector_load %arg6[%get3A_872] {strides = array<i32>} : memref<1024xi32, #tpu.memory_space<vmem>>, vector<16xi32>,
    %masked_sort3A_874 = arith.constant dense<true> : vector<16xi1>
    %masked_sort3A_875, %masked_sort3A_876, %masked_sort3A_877 = tpu.sort %get3A_871, %get3A_873 masked %masked_sort3A_874 {descending = true} : (vector<16xf32>, vector<16xi32>, vector<16xi1>) -> (vector<16xi1>, vector<16xf32>, vector<16xi32>)
    %ge3A_878 = arith.cmpf oge, %masked_sort3A_868, %masked_sort3A_876 : vector<16xf32>
    %select_n3A_879 = arith.select %ge3A_878, %masked_sort3A_868, %masked_sort3A_876 : vector<16xi1>, vector<16xf32>
    %select_n3A_880 = arith.select %ge3A_878, %masked_sort3A_869, %masked_sort3A_877 : vector<16xi1>, vector<16xi32>
    %masked_sort3A_881 = arith.constant dense<true> : vector<16xi1>
    %masked_sort3A_882, %masked_sort3A_883, %masked_sort3A_884 = tpu.sort %select_n3A_879, %select_n3A_880 masked %masked_sort3A_881 : (vector<16xf32>, vector<16xi32>, vector<16xi1>) -> (vector<16xi1>, vector<16xf32>, vector<16xi32>)
    %get3A_885 = arith.constant 944 : index
    %get3A_886 = tpu.vector_load %arg5[%get3A_885] {strides = array<i32>} : memref<1024xf32, #tpu.memory_space<vmem>>, vector<16xf32>,
    %get3A_887 = arith.constant 944 : index
    %get3A_888 = tpu.vector_load %arg6[%get3A_887] {strides = array<i32>} : memref<1024xi32, #tpu.memory_space<vmem>>, vector<16xi32>,
    %masked_sort3A_889 = arith.constant dense<true> : vector<16xi1>
    %masked_sort3A_890, %masked_sort3A_891, %masked_sort3A_892 = tpu.sort %get3A_886, %get3A_888 masked %masked_sort3A_889 {descending = true} : (vector<16xf32>, vector<16xi32>, vector<16xi1>) -> (vector<16xi1>, vector<16xf32>, vector<16xi32>)
    %ge3A_893 = arith.cmpf oge, %masked_sort3A_883, %masked_sort3A_891 : vector<16xf32>
    %select_n3A_894 = arith.select %ge3A_893, %masked_sort3A_883, %masked_sort3A_891 : vector<16xi1>, vector<16xf32>
    %select_n3A_895 = arith.select %ge3A_893, %masked_sort3A_884, %masked_sort3A_892 : vector<16xi1>, vector<16xi32>
    %masked_sort3A_896 = arith.constant dense<true> : vector<16xi1>
    %masked_sort3A_897, %masked_sort3A_898, %masked_sort3A_899 = tpu.sort %select_n3A_894, %select_n3A_895 masked %masked_sort3A_896 : (vector<16xf32>, vector<16xi32>, vector<16xi1>) -> (vector<16xi1>, vector<16xf32>, vector<16xi32>)
    %get3A_900 = arith.constant 960 : index
    %get3A_901 = tpu.vector_load %arg5[%get3A_900] {strides = array<i32>} : memref<1024xf32, #tpu.memory_space<vmem>>, vector<16xf32>,
    %get3A_902 = arith.constant 960 : index
    %get3A_903 = tpu.vector_load %arg6[%get3A_902] {strides = array<i32>} : memref<1024xi32, #tpu.memory_space<vmem>>, vector<16xi32>,
    %masked_sort3A_904 = arith.constant dense<true> : vector<16xi1>
    %masked_sort3A_905, %masked_sort3A_906, %masked_sort3A_907 = tpu.sort %get3A_901, %get3A_903 masked %masked_sort3A_904 {descending = true} : (vector<16xf32>, vector<16xi32>, vector<16xi1>) -> (vector<16xi1>, vector<16xf32>, vector<16xi32>)
    %ge3A_908 = arith.cmpf oge, %masked_sort3A_898, %masked_sort3A_906 : vector<16xf32>
    %select_n3A_909 = arith.select %ge3A_908, %masked_sort3A_898, %masked_sort3A_906 : vector<16xi1>, vector<16xf32>
    %select_n3A_910 = arith.select %ge3A_908, %masked_sort3A_899, %masked_sort3A_907 : vector<16xi1>, vector<16xi32>
    %masked_sort3A_911 = arith.constant dense<true> : vector<16xi1>
    %masked_sort3A_912, %masked_sort3A_913, %masked_sort3A_914 = tpu.sort %select_n3A_909, %select_n3A_910 masked %masked_sort3A_911 : (vector<16xf32>, vector<16xi32>, vector<16xi1>) -> (vector<16xi1>, vector<16xf32>, vector<16xi32>)
    %get3A_915 = arith.constant 976 : index
    %get3A_916 = tpu.vector_load %arg5[%get3A_915] {strides = array<i32>} : memref<1024xf32, #tpu.memory_space<vmem>>, vector<16xf32>,
    %get3A_917 = arith.constant 976 : index
    %get3A_918 = tpu.vector_load %arg6[%get3A_917] {strides = array<i32>} : memref<1024xi32, #tpu.memory_space<vmem>>, vector<16xi32>,
    %masked_sort3A_919 = arith.constant dense<true> : vector<16xi1>
    %masked_sort3A_920, %masked_sort3A_921, %masked_sort3A_922 = tpu.sort %get3A_916, %get3A_918 masked %masked_sort3A_919 {descending = true} : (vector<16xf32>, vector<16xi32>, vector<16xi1>) -> (vector<16xi1>, vector<16xf32>, vector<16xi32>)
    %ge3A_923 = arith.cmpf oge, %masked_sort3A_913, %masked_sort3A_921 : vector<16xf32>
    %select_n3A_924 = arith.select %ge3A_923, %masked_sort3A_913, %masked_sort3A_921 : vector<16xi1>, vector<16xf32>
    %select_n3A_925 = arith.select %ge3A_923, %masked_sort3A_914, %masked_sort3A_922 : vector<16xi1>, vector<16xi32>
    %masked_sort3A_926 = arith.constant dense<true> : vector<16xi1>
    %masked_sort3A_927, %masked_sort3A_928, %masked_sort3A_929 = tpu.sort %select_n3A_924, %select_n3A_925 masked %masked_sort3A_926 : (vector<16xf32>, vector<16xi32>, vector<16xi1>) -> (vector<16xi1>, vector<16xf32>, vector<16xi32>)
    %get3A_930 = arith.constant 992 : index
    %get3A_931 = tpu.vector_load %arg5[%get3A_930] {strides = array<i32>} : memref<1024xf32, #tpu.memory_space<vmem>>, vector<16xf32>,
    %get3A_932 = arith.constant 992 : index
    %get3A_933 = tpu.vector_load %arg6[%get3A_932] {strides = array<i32>} : memref<1024xi32, #tpu.memory_space<vmem>>, vector<16xi32>,
    %masked_sort3A_934 = arith.constant dense<true> : vector<16xi1>
    %masked_sort3A_935, %masked_sort3A_936, %masked_sort3A_937 = tpu.sort %get3A_931, %get3A_933 masked %masked_sort3A_934 {descending = true} : (vector<16xf32>, vector<16xi32>, vector<16xi1>) -> (vector<16xi1>, vector<16xf32>, vector<16xi32>)
    %ge3A_938 = arith.cmpf oge, %masked_sort3A_928, %masked_sort3A_936 : vector<16xf32>
    %select_n3A_939 = arith.select %ge3A_938, %masked_sort3A_928, %masked_sort3A_936 : vector<16xi1>, vector<16xf32>
    %select_n3A_940 = arith.select %ge3A_938, %masked_sort3A_929, %masked_sort3A_937 : vector<16xi1>, vector<16xi32>
    %masked_sort3A_941 = arith.constant dense<true> : vector<16xi1>
    %masked_sort3A_942, %masked_sort3A_943, %masked_sort3A_944 = tpu.sort %select_n3A_939, %select_n3A_940 masked %masked_sort3A_941 : (vector<16xf32>, vector<16xi32>, vector<16xi1>) -> (vector<16xi1>, vector<16xf32>, vector<16xi32>)
    %get3A_945 = arith.constant 1008 : index
    %get3A_946 = tpu.vector_load %arg5[%get3A_945] {strides = array<i32>} : memref<1024xf32, #tpu.memory_space<vmem>>, vector<16xf32>,
    %get3A_947 = arith.constant 1008 : index
    %get3A_948 = tpu.vector_load %arg6[%get3A_947] {strides = array<i32>} : memref<1024xi32, #tpu.memory_space<vmem>>, vector<16xi32>,
    %masked_sort3A_949 = arith.constant dense<true> : vector<16xi1>
    %masked_sort3A_950, %masked_sort3A_951, %masked_sort3A_952 = tpu.sort %get3A_946, %get3A_948 masked %masked_sort3A_949 {descending = true} : (vector<16xf32>, vector<16xi32>, vector<16xi1>) -> (vector<16xi1>, vector<16xf32>, vector<16xi32>)
    %ge3A_953 = arith.cmpf oge, %masked_sort3A_943, %masked_sort3A_951 : vector<16xf32>
    %select_n3A_954 = arith.select %ge3A_953, %masked_sort3A_943, %masked_sort3A_951 : vector<16xi1>, vector<16xf32>
    %select_n3A_955 = arith.select %ge3A_953, %masked_sort3A_944, %masked_sort3A_952 : vector<16xi1>, vector<16xi32>
    %masked_sort3A_956 = arith.constant dense<true> : vector<16xi1>
    %masked_sort3A_957, %masked_sort3A_958, %masked_sort3A_959 = tpu.sort %select_n3A_954, %select_n3A_955 masked %masked_sort3A_956 : (vector<16xf32>, vector<16xi32>, vector<16xi1>) -> (vector<16xi1>, vector<16xf32>, vector<16xi32>)
    %ge3A_960 = arith.constant 8 : i32
    %ge3A_961 = vector.broadcast %ge3A_960 : i32 to vector<16xi32>
    %ge3A_962 = arith.cmpi sge, %iota3A, %ge3A_961 : vector<16xi32>
    %reduce_max3A = arith.constant true
    %reduce_max3A_963 = vector.broadcast %reduce_max3A : i1 to vector<16xi1>
    %reduce_max3A_964 = tpu.scan <max>, %masked_sort3A_958 masked %reduce_max3A_963 : vector<16xf32>, vector<16xi1> -> vector<16xf32>
    %reduce_max3A_965 = vector.extract %reduce_max3A_964[15] : f32 from vector<16xf32>
    %sub3A = vector.broadcast %reduce_max3A_965 : f32 to vector<16xf32>
    %sub3A_966 = arith.subf %masked_sort3A_958, %sub3A : vector<16xf32>
    %exp3A = math.exp %sub3A_966 : vector<16xf32>
    %jit3A = arith.constant 0.000000e+00 : f32
    %broadcast_in_dim3A_967 = vector.broadcast %jit3A : f32 to vector<16xf32>
    %select_n3A_968 = arith.select %ge3A_962, %exp3A, %broadcast_in_dim3A_967 : vector<16xi1>, vector<16xf32>
    %eq3A = arith.constant 1 : i32
    %eq3A_969 = vector.broadcast %eq3A : i32 to vector<16xi32>
    %eq3A_970 = arith.cmpi eq, %masked_sort3A_959, %eq3A_969 : vector<16xi32>
    %jit3A_971 = arith.constant 0.000000e+00 : f32
    %broadcast_in_dim3A_972 = vector.broadcast %jit3A_971 : f32 to vector<16xf32>
    %select_n3A_973 = arith.select %eq3A_970, %select_n3A_968, %broadcast_in_dim3A_972 : vector<16xi1>, vector<16xf32>
    %reduce_sum3A = arith.constant true
    %reduce_sum3A_974 = vector.broadcast %reduce_sum3A : i1 to vector<16xi1>
    %reduce_sum3A_975 = tpu.scan <sum>, %select_n3A_973 masked %reduce_sum3A_974 : vector<16xf32>, vector<16xi1> -> vector<16xf32>
    %reduce_sum3A_976 = vector.extract %reduce_sum3A_975[15] : f32 from vector<16xf32>
    %eq3A_977 = arith.constant 0 : i32
    %eq3A_978 = vector.broadcast %eq3A_977 : i32 to vector<16xi32>
    %eq3A_979 = arith.cmpi eq, %masked_sort3A_959, %eq3A_978 : vector<16xi32>
    %jit3A_980 = arith.constant 0.000000e+00 : f32
    %broadcast_in_dim3A_981 = vector.broadcast %jit3A_980 : f32 to vector<16xf32>
    %select_n3A_982 = arith.select %eq3A_979, %select_n3A_968, %broadcast_in_dim3A_981 : vector<16xi1>, vector<16xf32>
    %reduce_sum3A_983 = arith.constant true
    %reduce_sum3A_984 = vector.broadcast %reduce_sum3A_983 : i1 to vector<16xi1>
    %reduce_sum3A_985 = tpu.scan <sum>, %select_n3A_982 masked %reduce_sum3A_984 : vector<16xf32>, vector<16xi1> -> vector<16xf32>
    %reduce_sum3A_986 = vector.extract %reduce_sum3A_985[15] : f32 from vector<16xf32>
    %add3A_987 = arith.addf %reduce_sum3A_986, %reduce_sum3A_976 : f32
    %broadcast_in_dim3A_988 = vector.broadcast %add3A_987 : f32 to vector<16xf32>
    %broadcast_in_dim3A_989 = arith.constant 2129733610 : i32
    %broadcast_in_dim3A_990 = vector.broadcast %broadcast_in_dim3A_989 : i32 to vector<16xi32>
    %bitcast_convert_type3A = tpu.bitcast %broadcast_in_dim3A_988 : vector<16xf32> -> vector<16xi32>
    %sub3A_991 = arith.subi %broadcast_in_dim3A_990, %bitcast_convert_type3A : vector<16xi32>
    %bitcast_convert_type3A_992 = tpu.bitcast %sub3A_991 : vector<16xi32> -> vector<16xf32>
    %mul3A_993 = arith.mulf %broadcast_in_dim3A_988, %bitcast_convert_type3A_992 : vector<16xf32>
    %sub3A_994 = arith.constant 2.000000e+00 : f32
    %sub3A_995 = vector.broadcast %sub3A_994 : f32 to vector<16xf32>
    %sub3A_996 = arith.subf %sub3A_995, %mul3A_993 : vector<16xf32>
    %mul3A_997 = arith.mulf %bitcast_convert_type3A_992, %sub3A_996 : vector<16xf32>
    %mul3A_998 = arith.mulf %broadcast_in_dim3A_988, %mul3A_997 : vector<16xf32>
    %sub3A_999 = arith.constant 2.000000e+00 : f32
    %sub3A_1000 = vector.broadcast %sub3A_999 : f32 to vector<16xf32>
    %sub3A_1001 = arith.subf %sub3A_1000, %mul3A_998 : vector<16xf32>
    %mul3A_1002 = arith.mulf %mul3A_997, %sub3A_1001 : vector<16xf32>
    %mul3A_1003 = arith.mulf %broadcast_in_dim3A_988, %mul3A_1002 : vector<16xf32>
    %sub3A_1004 = arith.constant 2.000000e+00 : f32
    %sub3A_1005 = vector.broadcast %sub3A_1004 : f32 to vector<16xf32>
    %sub3A_1006 = arith.subf %sub3A_1005, %mul3A_1003 : vector<16xf32>
    %mul3A_1007 = arith.mulf %mul3A_1002, %sub3A_1006 : vector<16xf32>
    %eq3A_1008 = arith.constant 0 : i32
    %eq3A_1009 = vector.broadcast %eq3A_1008 : i32 to vector<16xi32>
    %eq3A_1010 = arith.cmpi eq, %iota3A, %eq3A_1009 : vector<16xi32>
    %eq3A_1011 = arith.constant 1 : i32
    %eq3A_1012 = vector.broadcast %eq3A_1011 : i32 to vector<16xi32>
    %eq3A_1013 = arith.cmpi eq, %iota3A, %eq3A_1012 : vector<16xi32>
    %jit3A_1014 = arith.constant 0.000000e+00 : f32
    %broadcast_in_dim3A_1015 = vector.broadcast %reduce_sum3A_976 : f32 to vector<16xf32>
    %broadcast_in_dim3A_1016 = vector.broadcast %jit3A_1014 : f32 to vector<16xf32>
    %select_n3A_1017 = arith.select %eq3A_1013, %broadcast_in_dim3A_1015, %broadcast_in_dim3A_1016 : vector<16xi1>, vector<16xf32>
    %broadcast_in_dim3A_1018 = vector.broadcast %reduce_sum3A_986 : f32 to vector<16xf32>
    %select_n3A_1019 = arith.select %eq3A_1010, %broadcast_in_dim3A_1018, %select_n3A_1017 : vector<16xi1>, vector<16xf32>
    %mul3A_1020 = arith.mulf %select_n3A_1019, %mul3A_1007 : vector<16xf32>
    %swap3A = arith.constant 0 : index
    %swap3A_1021 = tpu.vector_load %arg7[%swap3A] {strides = array<i32>} : memref<16xf32, #tpu.memory_space<vmem>>, vector<16xf32>,
    tpu.vector_store %arg7[%swap3A], %mul3A_1020 {strides = array<i32>} : memref<16xf32, #tpu.memory_space<vmem>>, vector<16xf32>,
    "tpu.region"() ({
      %run_scoped3A = tpu.sem_alloc : memref<!tpu.dma_semaphore, #tpu.memory_space<semaphore_mem>>
      %dma_start3A = arith.constant 0 : i32
      %dma_start3A_1022 = tpu.memref_slice %arg4[%add3A, %dma_start3A] : memref<32x16xf32, #tpu.memory_space<hbm>> -> memref<1x16xf32, #tpu.memory_space<hbm>>
      %dma_start3A_1023 = tpu.memref_squeeze %dma_start3A_1022 : memref<1x16xf32, #tpu.memory_space<hbm>> -> memref<16xf32, #tpu.memory_space<hbm>>
      %dma_start3A_1024 = arith.constant 0 : i32
      %dma_start3A_1025 = tpu.memref_slice %arg4[%add3A, %dma_start3A_1024] : memref<32x16xf32, #tpu.memory_space<hbm>> -> memref<1x16xf32, #tpu.memory_space<hbm>>
      %dma_start3A_1026 = tpu.memref_squeeze %dma_start3A_1025 : memref<1x16xf32, #tpu.memory_space<hbm>> -> memref<16xf32, #tpu.memory_space<hbm>>
      tpu.enqueue_dma source(%arg7 : memref<16xf32, #tpu.memory_space<vmem>>) target(%dma_start3A_1026 : memref<16xf32, #tpu.memory_space<hbm>>) target_semaphore(%run_scoped3A : memref<!tpu.dma_semaphore, #tpu.memory_space<semaphore_mem>>)
      %dma_wait3A = arith.constant 0 : i32
      %dma_wait3A_1027 = tpu.memref_slice %arg4[%add3A, %dma_wait3A] : memref<32x16xf32, #tpu.memory_space<hbm>> -> memref<1x16xf32, #tpu.memory_space<hbm>>
      %dma_wait3A_1028 = tpu.memref_squeeze %dma_wait3A_1027 : memref<1x16xf32, #tpu.memory_space<hbm>> -> memref<16xf32, #tpu.memory_space<hbm>>
      %dma_wait3A_1029 = arith.constant 0 : i32
      %dma_wait3A_1030 = tpu.memref_slice %arg4[%add3A, %dma_wait3A_1029] : memref<32x16xf32, #tpu.memory_space<hbm>> -> memref<1x16xf32, #tpu.memory_space<hbm>>
      %dma_wait3A_1031 = tpu.memref_squeeze %dma_wait3A_1030 : memref<1x16xf32, #tpu.memory_space<hbm>> -> memref<16xf32, #tpu.memory_space<hbm>>
      tpu.wait_dma2 semaphore(%run_scoped3A : memref<!tpu.dma_semaphore, #tpu.memory_space<semaphore_mem>>) src(%arg7 : memref<16xf32, #tpu.memory_space<vmem>>) dst(%dma_wait3A_1031 : memref<16xf32, #tpu.memory_space<hbm>>)
      tpu.yield
    }) : () -> ()
    return
  }
}

module attributes {stable_mosaic.version = 14 : i64} {
  func.func @_dist_body(%arg0: i32, %arg1: memref<32x4096xf32, #tpu.memory_space<vmem>>, %arg2: memref<4096x1024xf32, #tpu.memory_space<vmem>>, %arg3: memref<32x1024xf32, #tpu.memory_space<vmem>>, %arg4: memref<32x1024xf32, #tpu.memory_space<vmem>>, %arg5: memref<1x1024xf32, #tpu.memory_space<vmem>>) attributes {dimension_semantics = [#tpu.dimension_semantics<arbitrary>], iteration_bounds = array<i64: 13>, scalar_prefetch = 0 : i64, scratch_operands = 2 : i64, tpu.core_type = #tpu.core_type<tc>, window_params = [{transform_indices = @transform_0, window_bounds = array<i64: 32, 4096>}, {transform_indices = @transform_1, window_bounds = array<i64: 4096, 1024>}, {pipeline_mode = #tpu.pipeline_mode<synchronous>, transform_indices = @transform_2, window_bounds = array<i64: 32, 1024>}]} {
    %eq3A = arith.constant 0 : i32
    %eq3A_0 = arith.cmpi eq, %arg0, %eq3A : i32
    %convert_element_type3A = arith.extui %eq3A_0 : i1 to i32
    %cond3A = arith.constant 0 : i32
    %cond3A_1 = arith.cmpi ne, %convert_element_type3A, %cond3A : i32
    scf.if %cond3A_1 {
      %broadcast_in_dim3A = arith.constant 0.000000e+00 : f32
      %broadcast_in_dim3A_11 = vector.broadcast %broadcast_in_dim3A : f32 to vector<32x1024xf32>
      %swap3A = arith.constant 0 : index
      %swap3A_12 = arith.constant 0 : index
      %swap3A_13 = vector.load %arg4[%swap3A, %swap3A_12] : memref<32x1024xf32, #tpu.memory_space<vmem>>, vector<32x1024xf32>
      tpu.vector_store %arg4[%swap3A, %swap3A_12], %broadcast_in_dim3A_11 {strides = array<i32>} : memref<32x1024xf32, #tpu.memory_space<vmem>>, vector<32x1024xf32>,
      %broadcast_in_dim3A_14 = arith.constant 0.000000e+00 : f32
      %broadcast_in_dim3A_15 = vector.broadcast %broadcast_in_dim3A_14 : f32 to vector<1x1024xf32>
      %swap3A_16 = arith.constant 0 : index
      %swap3A_17 = arith.constant 0 : index
      %swap3A_18 = vector.load %arg5[%swap3A_16, %swap3A_17] : memref<1x1024xf32, #tpu.memory_space<vmem>>, vector<1x1024xf32>
      tpu.vector_store %arg5[%swap3A_16, %swap3A_17], %broadcast_in_dim3A_15 {strides = array<i32>} : memref<1x1024xf32, #tpu.memory_space<vmem>>, vector<1x1024xf32>,
    } else {
    }
    %lt3A = arith.constant 12 : i32
    %lt3A_2 = arith.cmpi slt, %arg0, %lt3A : i32
    %convert_element_type3A_3 = arith.extui %lt3A_2 : i1 to i32
    %cond3A_4 = arith.constant 0 : i32
    %cond3A_5 = arith.cmpi ne, %convert_element_type3A_3, %cond3A_4 : i32
    scf.if %cond3A_5 {
      %get3A = arith.constant 0 : index
      %get3A_11 = arith.constant 0 : index
      %get3A_12 = vector.load %arg2[%get3A, %get3A_11] : memref<4096x1024xf32, #tpu.memory_space<vmem>>, vector<4096x1024xf32>
      %get3A_13 = arith.constant 0 : index
      %get3A_14 = arith.constant 0 : index
      %get3A_15 = vector.load %arg1[%get3A_13, %get3A_14] : memref<32x4096xf32, #tpu.memory_space<vmem>>, vector<32x4096xf32>
      %log3A = math.log %get3A_15 : vector<32x4096xf32>
      %log3A_16 = math.log %get3A_12 : vector<4096x1024xf32>
      %convert_element_type3A_17 = arith.truncf %get3A_12 : vector<4096x1024xf32> to vector<4096x1024xbf16>
      %convert_element_type3A_18 = arith.extf %convert_element_type3A_17 : vector<4096x1024xbf16> to vector<4096x1024xf32>
      %sub3A = arith.subf %get3A_12, %convert_element_type3A_18 : vector<4096x1024xf32>
      %convert_element_type3A_19 = arith.truncf %log3A : vector<32x4096xf32> to vector<32x4096xbf16>
      %convert_element_type3A_20 = arith.extf %convert_element_type3A_19 : vector<32x4096xbf16> to vector<32x4096xf32>
      %sub3A_21 = arith.subf %log3A, %convert_element_type3A_20 : vector<32x4096xf32>
      %concatenate3A = tpu.concatenate %convert_element_type3A_20, %sub3A_21, %convert_element_type3A_20 in 1 : vector<32x4096xf32>, vector<32x4096xf32>, vector<32x4096xf32> -> vector<32x12288xf32>
      %convert_element_type3A_22 = arith.truncf %concatenate3A : vector<32x12288xf32> to vector<32x12288xbf16>
      %concatenate3A_23 = tpu.concatenate %convert_element_type3A_18, %convert_element_type3A_18, %sub3A in 0 : vector<4096x1024xf32>, vector<4096x1024xf32>, vector<4096x1024xf32> -> vector<12288x1024xf32>
      %convert_element_type3A_24 = arith.truncf %concatenate3A_23 : vector<12288x1024xf32> to vector<12288x1024xbf16>
      %get3A_25 = arith.constant 0 : index
      %get3A_26 = arith.constant 0 : index
      %get3A_27 = vector.load %arg4[%get3A_25, %get3A_26] : memref<32x1024xf32, #tpu.memory_space<vmem>>, vector<32x1024xf32>
      %dot_general3A = arith.constant dense<0.000000e+00> : vector<32x1024xf32>
      %dot_general3A_28 = tpu.matmul %convert_element_type3A_22, %convert_element_type3A_24, %dot_general3A {dimension_numbers = #tpu.dot_dimension_numbers<[1], [0], [0], [1], [0, 0, 1, 1], [], []>, transpose_lhs_hint = false} : vector<32x12288xbf16>, vector<12288x1024xbf16>, vector<32x1024xf32> -> vector<32x1024xf32>
      %add3A = arith.addf %get3A_27, %dot_general3A_28 : vector<32x1024xf32>
      %swap3A = arith.constant 0 : index
      %swap3A_29 = arith.constant 0 : index
      %swap3A_30 = vector.load %arg4[%swap3A, %swap3A_29] : memref<32x1024xf32, #tpu.memory_space<vmem>>, vector<32x1024xf32>
      tpu.vector_store %arg4[%swap3A, %swap3A_29], %add3A {strides = array<i32>} : memref<32x1024xf32, #tpu.memory_space<vmem>>, vector<32x1024xf32>,
      %get3A_31 = arith.constant 0 : index
      %get3A_32 = arith.constant 0 : index
      %get3A_33 = vector.load %arg5[%get3A_31, %get3A_32] : memref<1x1024xf32, #tpu.memory_space<vmem>>, vector<1x1024xf32>
      %mul3A = arith.mulf %get3A_12, %log3A_16 : vector<4096x1024xf32>
      %reduce_sum3A = arith.constant dense<0.000000e+00> : vector<1024xf32>
      %reduce_sum3A_34 = vector.multi_reduction <add>, %mul3A, %reduce_sum3A [0] : vector<4096x1024xf32> to vector<1024xf32>
      %broadcast_in_dim3A = vector.shape_cast %reduce_sum3A_34 : vector<1024xf32> to vector<1x1024xf32>
      %add3A_35 = arith.addf %get3A_33, %broadcast_in_dim3A : vector<1x1024xf32>
      %swap3A_36 = arith.constant 0 : index
      %swap3A_37 = arith.constant 0 : index
      %swap3A_38 = vector.load %arg5[%swap3A_36, %swap3A_37] : memref<1x1024xf32, #tpu.memory_space<vmem>>, vector<1x1024xf32>
      tpu.vector_store %arg5[%swap3A_36, %swap3A_37], %add3A_35 {strides = array<i32>} : memref<1x1024xf32, #tpu.memory_space<vmem>>, vector<1x1024xf32>,
    } else {
    }
    %eq3A_6 = arith.constant 12 : i32
    %eq3A_7 = arith.cmpi eq, %arg0, %eq3A_6 : i32
    %convert_element_type3A_8 = arith.extui %eq3A_7 : i1 to i32
    %cond3A_9 = arith.constant 0 : i32
    %cond3A_10 = arith.cmpi ne, %convert_element_type3A_8, %cond3A_9 : i32
    scf.if %cond3A_10 {
      %mul3A = arith.constant 4096 : i32
      %mul3A_11 = arith.muli %arg0, %mul3A : i32
      %iota3A = tpu.iota {dimensions = array<i32: 0>} : vector<4096x1xi32>
      %add3A = vector.broadcast %mul3A_11 : i32 to vector<4096x1xi32>
      %add3A_12 = arith.addi %add3A, %iota3A : vector<4096x1xi32>
      %lt3A_13 = arith.constant 50257 : i32
      %lt3A_14 = vector.broadcast %lt3A_13 : i32 to vector<4096x1xi32>
      %lt3A_15 = arith.cmpi slt, %add3A_12, %lt3A_14 : vector<4096x1xi32>
      %mul3A_16 = arith.constant 4096 : i32
      %mul3A_17 = arith.muli %arg0, %mul3A_16 : i32
      %iota3A_18 = tpu.iota {dimensions = array<i32: 1>} : vector<1x4096xi32>
      %add3A_19 = vector.broadcast %mul3A_17 : i32 to vector<1x4096xi32>
      %add3A_20 = arith.addi %add3A_19, %iota3A_18 : vector<1x4096xi32>
      %lt3A_21 = arith.constant 50257 : i32
      %lt3A_22 = vector.broadcast %lt3A_21 : i32 to vector<1x4096xi32>
      %lt3A_23 = arith.cmpi slt, %add3A_20, %lt3A_22 : vector<1x4096xi32>
      %get3A = arith.constant 0 : index
      %get3A_24 = arith.constant 0 : index
      %get3A_25 = vector.load %arg2[%get3A, %get3A_24] : memref<4096x1024xf32, #tpu.memory_space<vmem>>, vector<4096x1024xf32>
      %jit3A = arith.constant 1.000000e+00 : f32
      %broadcast_in_dim3A = vector.shape_cast %lt3A_15 : vector<4096x1xi1> to vector<4096x1xi1>
      %broadcast_in_dim3A_26 = vector.broadcast %broadcast_in_dim3A : vector<4096x1xi1> to vector<4096x1024xi1>
      %broadcast_in_dim3A_27 = vector.broadcast %jit3A : f32 to vector<4096x1024xf32>
      %select_n3A = arith.select %broadcast_in_dim3A_26, %get3A_25, %broadcast_in_dim3A_27 : vector<4096x1024xi1>, vector<4096x1024xf32>
      %get3A_28 = arith.constant 0 : index
      %get3A_29 = arith.constant 0 : index
      %get3A_30 = vector.load %arg1[%get3A_28, %get3A_29] : memref<32x4096xf32, #tpu.memory_space<vmem>>, vector<32x4096xf32>
      %jit3A_31 = arith.constant 1.000000e+00 : f32
      %broadcast_in_dim3A_32 = vector.shape_cast %lt3A_23 : vector<1x4096xi1> to vector<1x4096xi1>
      %broadcast_in_dim3A_33 = vector.broadcast %broadcast_in_dim3A_32 : vector<1x4096xi1> to vector<32x4096xi1>
      %broadcast_in_dim3A_34 = vector.broadcast %jit3A_31 : f32 to vector<32x4096xf32>
      %select_n3A_35 = arith.select %broadcast_in_dim3A_33, %get3A_30, %broadcast_in_dim3A_34 : vector<32x4096xi1>, vector<32x4096xf32>
      %log3A = math.log %select_n3A_35 : vector<32x4096xf32>
      %log3A_36 = math.log %select_n3A : vector<4096x1024xf32>
      %convert_element_type3A_37 = arith.truncf %select_n3A : vector<4096x1024xf32> to vector<4096x1024xbf16>
      %convert_element_type3A_38 = arith.extf %convert_element_type3A_37 : vector<4096x1024xbf16> to vector<4096x1024xf32>
      %sub3A = arith.subf %select_n3A, %convert_element_type3A_38 : vector<4096x1024xf32>
      %convert_element_type3A_39 = arith.truncf %log3A : vector<32x4096xf32> to vector<32x4096xbf16>
      %convert_element_type3A_40 = arith.extf %convert_element_type3A_39 : vector<32x4096xbf16> to vector<32x4096xf32>
      %sub3A_41 = arith.subf %log3A, %convert_element_type3A_40 : vector<32x4096xf32>
      %concatenate3A = tpu.concatenate %convert_element_type3A_40, %sub3A_41, %convert_element_type3A_40 in 1 : vector<32x4096xf32>, vector<32x4096xf32>, vector<32x4096xf32> -> vector<32x12288xf32>
      %convert_element_type3A_42 = arith.truncf %concatenate3A : vector<32x12288xf32> to vector<32x12288xbf16>
      %concatenate3A_43 = tpu.concatenate %convert_element_type3A_38, %convert_element_type3A_38, %sub3A in 0 : vector<4096x1024xf32>, vector<4096x1024xf32>, vector<4096x1024xf32> -> vector<12288x1024xf32>
      %convert_element_type3A_44 = arith.truncf %concatenate3A_43 : vector<12288x1024xf32> to vector<12288x1024xbf16>
      %get3A_45 = arith.constant 0 : index
      %get3A_46 = arith.constant 0 : index
      %get3A_47 = vector.load %arg4[%get3A_45, %get3A_46] : memref<32x1024xf32, #tpu.memory_space<vmem>>, vector<32x1024xf32>
      %dot_general3A = arith.constant dense<0.000000e+00> : vector<32x1024xf32>
      %dot_general3A_48 = tpu.matmul %convert_element_type3A_42, %convert_element_type3A_44, %dot_general3A {dimension_numbers = #tpu.dot_dimension_numbers<[1], [0], [0], [1], [0, 0, 1, 1], [], []>, transpose_lhs_hint = false} : vector<32x12288xbf16>, vector<12288x1024xbf16>, vector<32x1024xf32> -> vector<32x1024xf32>
      %add3A_49 = arith.addf %get3A_47, %dot_general3A_48 : vector<32x1024xf32>
      %swap3A = arith.constant 0 : index
      %swap3A_50 = arith.constant 0 : index
      %swap3A_51 = vector.load %arg4[%swap3A, %swap3A_50] : memref<32x1024xf32, #tpu.memory_space<vmem>>, vector<32x1024xf32>
      tpu.vector_store %arg4[%swap3A, %swap3A_50], %add3A_49 {strides = array<i32>} : memref<32x1024xf32, #tpu.memory_space<vmem>>, vector<32x1024xf32>,
      %get3A_52 = arith.constant 0 : index
      %get3A_53 = arith.constant 0 : index
      %get3A_54 = vector.load %arg5[%get3A_52, %get3A_53] : memref<1x1024xf32, #tpu.memory_space<vmem>>, vector<1x1024xf32>
      %mul3A_55 = arith.mulf %select_n3A, %log3A_36 : vector<4096x1024xf32>
      %reduce_sum3A = arith.constant dense<0.000000e+00> : vector<1024xf32>
      %reduce_sum3A_56 = vector.multi_reduction <add>, %mul3A_55, %reduce_sum3A [0] : vector<4096x1024xf32> to vector<1024xf32>
      %broadcast_in_dim3A_57 = vector.shape_cast %reduce_sum3A_56 : vector<1024xf32> to vector<1x1024xf32>
      %add3A_58 = arith.addf %get3A_54, %broadcast_in_dim3A_57 : vector<1x1024xf32>
      %swap3A_59 = arith.constant 0 : index
      %swap3A_60 = arith.constant 0 : index
      %swap3A_61 = vector.load %arg5[%swap3A_59, %swap3A_60] : memref<1x1024xf32, #tpu.memory_space<vmem>>, vector<1x1024xf32>
      tpu.vector_store %arg5[%swap3A_59, %swap3A_60], %add3A_58 {strides = array<i32>} : memref<1x1024xf32, #tpu.memory_space<vmem>>, vector<1x1024xf32>,
      %get3A_62 = arith.constant 0 : index
      %get3A_63 = arith.constant 0 : index
      %get3A_64 = vector.load %arg4[%get3A_62, %get3A_63] : memref<32x1024xf32, #tpu.memory_space<vmem>>, vector<32x1024xf32>
      %get3A_65 = arith.constant 0 : index
      %get3A_66 = arith.constant 0 : index
      %get3A_67 = vector.load %arg5[%get3A_65, %get3A_66] : memref<1x1024xf32, #tpu.memory_space<vmem>>, vector<1x1024xf32>
      %sub3A_68 = vector.broadcast %get3A_67 : vector<1x1024xf32> to vector<32x1024xf32>
      %sub3A_69 = arith.subf %get3A_64, %sub3A_68 : vector<32x1024xf32>
      %mul3A_70 = arith.constant 3.97954514E-4 : f32
      %mul3A_71 = vector.broadcast %mul3A_70 : f32 to vector<32x1024xf32>
      %mul3A_72 = arith.mulf %mul3A_71, %sub3A_69 : vector<32x1024xf32>
      %swap3A_73 = arith.constant 0 : index
      %swap3A_74 = arith.constant 0 : index
      %swap3A_75 = vector.load %arg3[%swap3A_73, %swap3A_74] : memref<32x1024xf32, #tpu.memory_space<vmem>>, vector<32x1024xf32>
      tpu.vector_store %arg3[%swap3A_73, %swap3A_74], %mul3A_72 {strides = array<i32>} : memref<32x1024xf32, #tpu.memory_space<vmem>>, vector<32x1024xf32>,
    } else {
    }
    return
  }
  func.func @transform_0(%arg0: i32) -> (i32, i32) {
    %c0_i32 = arith.constant 0 : i32
    %c0_i32_0 = arith.constant 0 : i32
    return %c0_i32, %arg0 : i32, i32
  }
  func.func @transform_1(%arg0: i32) -> (i32, i32) {
    %c0_i32 = arith.constant 0 : i32
    %c0_i32_0 = arith.constant 0 : i32
    return %arg0, %c0_i32 : i32, i32
  }
  func.func @transform_2(%arg0: i32) -> (i32, i32) {
    %c0_i32 = arith.constant 0 : i32
    %c0_i32_0 = arith.constant 0 : i32
    %c0_i32_1 = arith.constant 0 : i32
    return %c0_i32, %c0_i32_0 : i32, i32
  }
}

</mosaic_0001>

<sc_bundles>
// kernel: kernel.4.cloned.1.call-start
scs
__scs_entry_jumppad:
0x0: {  	(pc) =	sbr.rel $0x88, $3  }
0x1: {  	(tag) =	ssettag $0x0;
	lr =	simm.s32 $0x1  }
0x2: {  	[smem:$0x3F9E] =	sst lr;
	_ =	strace $0xD0000000  }
0x3: {  	_ = 	snop  }
0x4: {  	_ = 	snop  }
0x5: {  	_ = 	snop  }
0x6: {  	_ = 	snop  }
0x7: {  	_ = 	snop  }
__scs_overlays_trampoline_lowered:
0x8: {  	[smem:$0x3FAD] =	sst s0  }
0x9: {  	[smem:$0x3FAE] =	sst s1  }
0xa: {  	[smem:$0x3FAF] =	sst s2  }
0xb: {  	[smem:$0x3FB0] =	sst s3  }
0xc: {  	[smem:$0x3FB1] =	sst s4  }
0xd: {  	[smem:$0x3FB2] =	sst s5  }
0xe: {  	[smem:$0x3FB3] =	sst s6  }
0xf: {  	[smem:$0x3FB4] =	sst s7  }
0x10: {  	[smem:$0x3FB5] =	sst s8  }
0x11: {  	[smem:$0x3FB6] =	sst s9;
	s0 =	simm.s32 @!p0 $0x0  }
0x12: {  	s1 =	sld [smem:$0x3F9C];
	s0 =	simm.s32 @p0 $0x1  }
0x13: {  	[smem:$0x3FB7] =	sst s0;
	s0 =	simm.s32 @!p1 $0x0  }
0x14: {  	s2 =	sld [smem:$0x3F9B];
	s0 =	simm.s32 @p1 $0x1  }
0x15: {  	[smem:$0x3FB8] =	sst s0;
	s0 =	simm.s32 @!p2 $0x0  }
0x16: {  	s3 =	sld [smem:$0x3FDB];
	s0 =	simm.s32 @p2 $0x1  }
0x17: {  	s4 =	simm.s32 $0x1BF5;
	[smem:$0x3FBA] =	sst s0  }
0x18: {  	s0 =	sld [smem:$0x3F9D];
	_ =	swait.ge [sflag:s4], $0x0  }
0x19: {  	s7 =	sld [smem:$0x3F9E]  }
0x1a: {  	s8 =	sadd.s32 $0xFFFFE003, lr  }
0x1b: {  	s9 =	sadd.s32 $0xFFFFFEF7, lr;
	s5 =	simm.s32 $0xFFFFFFFF;
	p2 =	slt.u32 s8, $0xFFFFF086  }
0x1c: {  	p1 =	slt.u32 s9, $0xF7A;
	s5 =	simm.s32 @!p2 $0x0  }
0x1d: {  	s5 =	simm.s32 @p1 $0x1;
	p0 =	seq.s32 s7, s2  }
0x1e: {  	s7 =	smul.u32 @!p0 $0xF7A, s2;
	p2 =	seq.s32 @!p0 s5, $0x0  }
0x1f: {  	s9 =	smul.u32 $0xF7A, s1;
	s8 =	simm.s32 @!p0 $0x1BF5;
	p2 =	por !p2, p0  }
0x20: {  	[sflag:s8] =	ssyncset.s32 @!p0 $0xFFFFF086;
	s6 =	sadd.s32 @!p0 s3, s7;
	s7 =	simm.s32 @!p0 $0x108  }
0x21: {  	s3 =	sadd.s32 s3, s9;
	s6 =	sadd.s32 @!p0 $0x88, s6;
	s7 =	simm.s32 @p2 $0x1082  }
0x22: {  	[simem:s7], [sflag:s8] =	dma.local @!p0 [hbm:s6], $0xF7A  }
0x23: {  	s9 =	sor.u32 $0xD0000000, s2;
	s6 =	simm.s32 $0x108;
	_ =	swait.ge @!p0 [sflag:s8], $0x0  }
0x24: {  	s3 =	sadd.s32 $0x88, s3;
	s6 =	simm.s32 @!p1 $0x1082;
	[sflag:s4] =	ssyncset.s32 $0xFFFFF086  }
0x25: {  	[simem:s6], [sflag:s4] =	dma.local [hbm:s3], $0xF7A  }
0x26: {  	[smem:$0x3F9E] =	sst s1;
	(tag) =	ssettag s2;
	_ =	strace s9  }
0x27: {  	s1 =	sld [smem:$0x3FAE]  }
0x28: {  	s2 =	sld [smem:$0x3FAF]  }
0x29: {  	s4 =	sld [smem:$0x3FB1]  }
0x2a: {  	p0 =	seq.s32 s5, $0x0;
	s5 =	sld [smem:$0x3FB2]  }
0x2b: {  	s6 =	sld [smem:$0x3FB3]  }
0x2c: {  	s7 =	sld [smem:$0x3FB4]  }
0x2d: {  	s3 =	simm.s32 $0x108;
	s8 =	sld [smem:$0x3FB5]  }
0x2e: {  	s3 =	simm.s32 @!p0 $0x1082;
	s9 =	sld [smem:$0x3FB6]  }
0x2f: {  	lr =	sadd.s32 s0, s3;
	s0 =	sld [smem:$0x3FAD]  }
0x30: {  	s3 =	sld [smem:$0x3FB0]  }
0x31: {  	[smem:$0x3FB9] =	sst s10  }
0x32: {  	s10 =	sld [smem:$0x3FB7];
	_ =	sdelay $0x3  }
0x33: {  	p0 =	seq.s32 s10, $0x1;
	s10 =	sld [smem:$0x3FB9];
	_ =	sdelay $0x3  }
0x34: {  	[smem:$0x3FB9] =	sst s10  }
0x35: {  	s10 =	sld [smem:$0x3FB8];
	_ =	sdelay $0x3  }
0x36: {  	p1 =	seq.s32 s10, $0x1;
	s10 =	sld [smem:$0x3FB9];
	_ =	sdelay $0x3  }
0x37: {  	[smem:$0x3FB9] =	sst s10  }
0x38: {  	s10 =	sld [smem:$0x3FBA]  }
0x39: {  	_ = 	snop;
	(pc) =	sbr.ind lr, $3  }
0x3a: {  	_ = 	snop  }
0x3b: {  	_ = 	snop  }
0x3c: {  	p2 =	seq.s32 s10, $0x1;
	s10 =	sld [smem:$0x3FB9]  }
0x3d: {  	_ =	shalt  }
0x3e: {  	_ =	shalt  }
0x3f: {  	_ =	shalt  }
0x40: {  	_ =	shalt  }
0x41: {  	_ =	shalt  }
0x42: {  	_ =	shalt  }
0x43: {  	_ =	shalt  }
0x44: {  	_ =	shalt  }
0x45: {  	_ =	shalt  }
0x46: {  	_ =	shalt  }
0x47: {  	_ =	shalt  }
0x48: {  	_ =	shalt  }
0x49: {  	_ =	shalt  }
0x4a: {  	_ =	shalt  }
0x4b: {  	_ =	shalt  }
0x4c: {  	_ =	shalt  }
0x4d: {  	_ =	shalt  }
0x4e: {  	_ =	shalt  }
0x4f: {  	_ =	shalt  }
0x50: {  	_ =	shalt  }
0x51: {  	_ =	shalt  }
0x52: {  	_ =	shalt  }
0x53: {  	_ =	shalt  }
0x54: {  	_ =	shalt  }
0x55: {  	_ =	shalt  }
0x56: {  	_ =	shalt  }
0x57: {  	_ =	shalt  }
0x58: {  	_ =	shalt  }
0x59: {  	_ =	shalt  }
0x5a: {  	_ =	shalt  }
0x5b: {  	_ =	shalt  }
0x5c: {  	_ =	shalt  }
0x5d: {  	_ =	shalt  }
0x5e: {  	_ =	shalt  }
0x5f: {  	_ =	shalt  }
0x60: {  	_ =	shalt  }
0x61: {  	_ =	shalt  }
0x62: {  	_ =	shalt  }
0x63: {  	_ =	shalt  }
0x64: {  	_ =	shalt  }
0x65: {  	_ =	shalt  }
0x66: {  	_ =	shalt  }
0x67: {  	_ =	shalt  }
0x68: {  	_ =	shalt  }
0x69: {  	_ =	shalt  }
0x6a: {  	_ =	shalt  }
0x6b: {  	_ =	shalt  }
0x6c: {  	_ =	shalt  }
0x6d: {  	_ =	shalt  }
0x6e: {  	_ =	shalt  }
0x6f: {  	_ =	shalt  }
0x70: {  	_ =	shalt  }
0x71: {  	_ =	shalt  }
0x72: {  	_ =	shalt  }
0x73: {  	_ =	shalt  }
0x74: {  	_ =	shalt  }
0x75: {  	_ =	shalt  }
0x76: {  	_ =	shalt  }
0x77: {  	_ =	shalt  }
0x78: {  	_ =	shalt  }
0x79: {  	_ =	shalt  }
0x7a: {  	_ =	shalt  }
0x7b: {  	_ =	shalt  }
0x7c: {  	_ =	shalt  }
0x7d: {  	_ =	shalt  }
0x7e: {  	_ =	shalt  }
0x7f: {  	_ =	shalt  }
0x80: {  	_ =	shalt  }
0x81: {  	_ =	shalt  }
0x82: {  	_ =	shalt  }
0x83: {  	_ =	shalt  }
0x84: {  	_ =	shalt  }
0x85: {  	_ =	shalt  }
0x86: {  	_ =	shalt  }
0x87: {  	_ =	shalt  }
.Lfunc_end0:
.L_simem_size_0:
called_computation_lowered:
.L_overlay_start_0:
0x88: {  	s2 =	sld [smem:$0x3FD9]  }
0x89: {  	s3 =	sld [smem:$0x3FFE];
	_ =	sdelay $0x1  }
0x8a: {  	s1 =	srdreg.scid  }
0x8b: {  	s0 =	sand.u32 $0x1, s1  }
0x8c: {  	s17 =	sshll.u32 s0, $0xA;
	s2 =	sadd.s32 s3, s2  }
0x8d: {  	s2 =	sadd.s32 s2, s17  }
0x8e: {  	[smem:$0x3FC5] =	sst s2  }
0x8f: {  	_ = 	snop  }
0x90: {  	s2 =	sld [smem:$0x3FC7];
	(tm) =	ssettm $0x1  }
0x91: {  	s18 =	sld [smem:$0x3FFB];
	_ =	sdelay $0x3  }
0x92: {  	_ =	strace s18  }
0x93: {  	s3 =	sld [smem:$0x3FFC];
	_ =	sdelay $0x3  }
0x94: {  	_ =	strace s3  }
0x95: {  	s3 =	sld [smem:$0x3FFD];
	_ =	sdelay $0x3  }
0x96: {  	_ =	strace s3  }
0x97: {  	_ =	strace $0x8FFFFFFF  }
0x98: {  	s19 =	sld [smem:$0x3FDB];
	_ =	sdelay $0x1  }
0x99: {  	s4 =	simm.s32 $_scs_section_size  }
0x9a: {  	s5 =	simm.s32 $_size__tile_overlayer_lowered;
	s6 =	simm.s32 $_tile_overlayer_lowered  }
0x9b: {  	s22 =	simm.s32 $0x1BFF;
	s21 =	sshll.u32 s6, $0x1;
	s3 =	sadd.s32 s4, s19  }
0x9c: {  	s7 =	simm.s32 $0x0;
	s20 =	sshll.u32 s5, $0x1;
	s5 =	sadd.s32 s21, s3  }
0x9d: {  	[timem:s7], [sflag:s22] =	dma.local [hbm:s5], s20  }
0x9e: {  	_ =	swait.ge [sflag:s22], s20  }
0x9f: {  	s4 =	ssub.s32 $0x0, s20;
	[sflag:s22] =	ssyncset.done $0x0  }
0xa0: {  	[sflag:s22] =	ssyncadd.s32 s4;
	_ =	sdelay $0x1  }
0xa1: {  	s23 =	simm.s32 $0x1B8B  }
0xa2: {  	_ =	swait.ge [sflag:s23], $0x1  }
0xa3: {  	[sflag:s23] =	ssyncset.done $0x0  }
0xa4: {  	s25 =	simm.s32 $0x1B8E;
	s24 =	sld [smem:$0x3FFE];
	[sflag:s23] =	ssyncadd.s32 $0xFFFFFFFF  }
0xa5: {  	s26 =	simm.s32 $execute0_lowered;
	[smem:$0x3FD2] =	sst s25  }
0xa6: {  	s5 =	sshll.u32 s26, $0x1;
	_ =	strace $0x80000046;
	[dreg:$0x1] =	wrdreg $0xFFFFFFFF  }
0xa7: {  	s28 =	simm.s32 $_size_execute0_lowered;
	s3 =	sadd.s32 s3, s5;
	[dreg:$0x0] =	wrdreg $0x0  }
0xa8: {  	s5 =	sshll.u32 s28, $0x1;
	[dreg:$0x2] =	wrdreg s3  }
0xa9: {  	[dreg:$0x3] =	wrdreg s5  }
0xaa: {  	[dreg:$0x4] =	wrdreg $0xC0  }
0xab: {  	_ =	task [dreg:s7], $0x5FFFF  }
0xac: {  	[dreg:$0x1] =	wrdreg $0xFFFFFFFF  }
0xad: {  	[dreg:$0x0] =	wrdreg $0x60  }
0xae: {  	[dreg:$0x2] =	wrdreg s24  }
0xaf: {  	[dreg:$0x3] =	wrdreg s2  }
0xb0: {  	[dreg:$0x4] =	wrdreg $0x9  }
0xb1: {  	_ =	task.clear_ibuf [dreg:s7], $0x5FFFF;
	_ =	strace $0x90000046  }
0xb2: {  	s29 =	simm.s32 $0x9;
	_ =	strace $0x80000048  }
0xb3: {  	_ =	swait.ge [sflag:s29], $0x1  }
0xb4: {  	[sflag:s29] =	ssyncadd.s32 $0xFFFFFFFF  }
0xb5: {  	_ =	strace $0x90000048  }
0xb6: {  	_ =	sfence  }
0xb7: {  	s30 =	sld [smem:$0x0];
	_ =	sdelay $0x2  }
0xb8: {  	s31 =	sshll.u32 s1, $0xD;
	s1 =	sshrl.u32 s1, $0x2  }
0xb9: {  	s3 =	sand.u32 $0x4000, s31;
	s1 =	sadd.s32 s1, s30  }
0xba: {  	s0 =	sor.u32 s3, s0;
	s1 =	sshll.u32 s1, $0x11  }
0xbb: {  	s0 =	sor.u32 s1, s0  }
0xbc: {  	s0 =	sadd.s32 $0x8F2B, s0  }
0xbd: {  	[sflag:s0] =	ssyncadd.remote.s32 $0x1  }
0xbe: {  	_ =	sfence.sel $0xFFFF  }
0xbf: {  	[dreg:$0x0] =	wrdreg $0xFFFFFFFF;
	(pc) =	sbr.abs _section_cstart, $3  }
0xc0: {  	[dreg:$0x1] =	wrdreg $0xFFFFFFFF  }
0xc1: {  	_ =	task.clear_ibuf [dreg:s7], $0x2FFFF;
	_ =	strace $0x9FFFFFFF  }
0xc2: {  	(tm) =	ssettm $0x7FFFFFFF  }
0xc3: {  	_ =	shalt  }
tec
execute0_lowered:
.L_overlay_start_1:
0x0: {  	(tag) =	ssettag $0x1  }
0x1: {  	s4 =	rddreg [dreg:$0x0]  }
0x2: {  	s2 =	rddreg [dreg:$0x1]  }
0x3: {  	s0 =	rddreg [dreg:$0x2]  }
0x4: {  	s5 =	srdreg.scid;
	s1 =	stileid.u32  }
0x5: {  	s3 =	simm.s32 $0x0;
	s10 =	simm.s32 $0x800;
	s5 =	sand.u32 $0x1, s5  }
0x6: {  	s6 =	sshll.u32 s1, $0x8;
	s7 =	sshrl.u32 s1, $0x2;
	[smem:$0x7FF] =	sst s3  }
0x7: {  	s8 =	sshll.u32 s5, $0x7;
	s6 =	sand.u32 $0x300, s6;
	s9 =	sshll.u32 s7, $0xD  }
0x8: {  	_ =	strace $0x80000047;
	s5 =	ssub.s32 $0x2, s5;
	s6 =	sor.u32 s8, s6  }
0x9: {  	s7 =	sshll.u32 s7, $0xA;
	s31 =	sshrl.u32 s5, $0x1;
	s8 =	sor.u32 s9, s6  }
0xa: {  	s6 =	sor.u32 s7, s6;
	s7 =	simm.s32 $0x80;
	s8 =	sshrl.u32 s8, $0x3  }
0xb: {  	s9 =	simm.s32 $0x1;
	s6 =	sshrl.u32 s6, $0x3;
	s30 =	sadd.s32 s8, s4  }
0xc: {  	s6 =	sadd.s32 s6, s4;
	s8 =	ssub.s32 s5, s31;
	s4 =	sadd.s32 $0x400, s30  }
0xd: {  	vm0 =	vmmov $0xff;
	vm1 =	vcmask $0x704;
	vm2 =	vcmask $0x3F04;
	s5 =	sadd.s32 $0x1400, s6;
	s6 =	smax.u32 s8, $0x1;
	s8 =	simm.s32 $0x400  }
.LBB2_1:
0xe: {  	[tilespmem:s3], [sflag:$0x1] =	stream.strided.gather [hbm4b:s4+s7], $0x400, s8, s7, $0x38;
	[tilespmem:$0x880] =	vst v63  }
0xf: {  	_ =	swait.ge [sflag:s9], $0x400  }
0x10: {  	[sflag:s9] =	ssyncset.done $0x0  }
0x11: {  	[sflag:s9] =	ssyncadd.s32 $0xFFFFFC00  }
0x12: {  	[tilespmem:s8], [sflag:$0x1] =	stream.linear.gather [hbm4b:s2+s3], $0x400, $0x38;
	[tilespmem:$0x880] =	vst v63  }
0x13: {  	_ =	swait.ge [sflag:s9], $0x400  }
0x14: {  	[sflag:s9] =	ssyncset.done $0x0  }
0x15: {  	[sflag:s9] =	ssyncadd.s32 $0xFFFFFC00  }
0x16: {  	v0 =	vld [tilespmem:$0x0]  }
0x17: {  	v1 =	vld [tilespmem:$0x400];
	_ =	sdelay $0x4  }
0x18: {  	(xrf1) =	vsort.dscd.msk.f32 $0xffff, v0, v1;
	_ =	sdelay $0xb  }
0x19: {  	v31 =	vld [tilespmem:$0x10]  }
0x1a: {  	v32 =	vld [tilespmem:$0x410]  }
0x1b: {  	v2, v3, _ =	vpop (xrf1)  }
0x1c: {  	vm3 =	vle.f32 v2, $-3.399999950e+38  }
0x1d: {  	v2 =	vsel vm3, $0xFF7FC99E, v2;
	v3 =	vsel vm3, $0x0, v3  }
0x1e: {  	(xrf1) =	vsort.ascd.msk.f32 $0xffff, v2, v3  }
0x1f: {  	(xrf1) =	vsort.dscd.msk.f32 $0xffff, v31, v32;
	_ =	sdelay $0xb  }
0x20: {  	v33 =	vld [tilespmem:$0x20]  }
0x21: {  	v35 =	vld [tilespmem:$0x420];
	v34, v2, _ =	vpop (xrf1)  }
0x22: {  	v4, v5, _ =	vpop (xrf1)  }
0x23: {  	vm3 =	vge.f32 v34, v4  }
0x24: {  	v1 =	vsel vm3, v34, v4;
	v2 =	vsel vm3, v2, v5  }
0x25: {  	(xrf1) =	vsort.ascd.msk.f32 $0xffff, v1, v2  }
0x26: {  	(xrf1) =	vsort.dscd.msk.f32 $0xffff, v33, v35;
	_ =	sdelay $0xb  }
0x27: {  	v36 =	vld [tilespmem:$0x30]  }
0x28: {  	v37 =	vld [tilespmem:$0x430];
	v1, v2, _ =	vpop (xrf1)  }
0x29: {  	v38, v39, _ =	vpop (xrf1)  }
0x2a: {  	vm3 =	vge.f32 v1, v38  }
0x2b: {  	v1 =	vsel vm3, v1, v38;
	v2 =	vsel vm3, v2, v39  }
0x2c: {  	(xrf1) =	vsort.ascd.msk.f32 $0xffff, v1, v2  }
0x2d: {  	(xrf1) =	vsort.dscd.msk.f32 $0xffff, v36, v37;
	_ =	sdelay $0xb  }
0x2e: {  	v40 =	vld [tilespmem:$0x40]  }
0x2f: {  	v41 =	vld [tilespmem:$0x440];
	v1, v2, _ =	vpop (xrf1)  }
0x30: {  	v42, v43, _ =	vpop (xrf1)  }
0x31: {  	vm3 =	vge.f32 v1, v42  }
0x32: {  	v1 =	vsel vm3, v1, v42;
	v2 =	vsel vm3, v2, v43  }
0x33: {  	(xrf1) =	vsort.ascd.msk.f32 $0xffff, v1, v2  }
0x34: {  	(xrf1) =	vsort.dscd.msk.f32 $0xffff, v40, v41;
	_ =	sdelay $0xb  }
0x35: {  	v44 =	vld [tilespmem:$0x50]  }
0x36: {  	v45 =	vld [tilespmem:$0x450];
	v1, v2, _ =	vpop (xrf1)  }
0x37: {  	v46, v47, _ =	vpop (xrf1)  }
0x38: {  	vm3 =	vge.f32 v1, v46  }
0x39: {  	v1 =	vsel vm3, v1, v46;
	v2 =	vsel vm3, v2, v47  }
0x3a: {  	(xrf1) =	vsort.ascd.msk.f32 $0xffff, v1, v2  }
0x3b: {  	(xrf1) =	vsort.dscd.msk.f32 $0xffff, v44, v45;
	_ =	sdelay $0xb  }
0x3c: {  	v48 =	vld [tilespmem:$0x60]  }
0x3d: {  	v49 =	vld [tilespmem:$0x460];
	v1, v2, _ =	vpop (xrf1)  }
0x3e: {  	v50, v51, _ =	vpop (xrf1)  }
0x3f: {  	vm3 =	vge.f32 v1, v50  }
0x40: {  	v1 =	vsel vm3, v1, v50;
	v2 =	vsel vm3, v2, v51  }
0x41: {  	(xrf1) =	vsort.ascd.msk.f32 $0xffff, v1, v2  }
0x42: {  	(xrf1) =	vsort.dscd.msk.f32 $0xffff, v48, v49;
	_ =	sdelay $0xb  }
0x43: {  	v52 =	vld [tilespmem:$0x70]  }
0x44: {  	v53 =	vld [tilespmem:$0x470];
	v1, v2, _ =	vpop (xrf1)  }
0x45: {  	v54, v55, _ =	vpop (xrf1)  }
0x46: {  	vm3 =	vge.f32 v1, v54  }
0x47: {  	v1 =	vsel vm3, v1, v54;
	v2 =	vsel vm3, v2, v55  }
0x48: {  	(xrf1) =	vsort.ascd.msk.f32 $0xffff, v1, v2  }
0x49: {  	(xrf1) =	vsort.dscd.msk.f32 $0xffff, v52, v53;
	_ =	sdelay $0xb  }
0x4a: {  	v56 =	vld [tilespmem:$0x80]  }
0x4b: {  	v57 =	vld [tilespmem:$0x480];
	v1, v2, _ =	vpop (xrf1)  }
0x4c: {  	v58, v59, _ =	vpop (xrf1)  }
0x4d: {  	vm3 =	vge.f32 v1, v58  }
0x4e: {  	v1 =	vsel vm3, v1, v58;
	v2 =	vsel vm3, v2, v59  }
0x4f: {  	(xrf1) =	vsort.ascd.msk.f32 $0xffff, v1, v2  }
0x50: {  	(xrf1) =	vsort.dscd.msk.f32 $0xffff, v56, v57;
	_ =	sdelay $0xb  }
0x51: {  	v60 =	vld [tilespmem:$0x90]  }
0x52: {  	v61 =	vld [tilespmem:$0x490];
	v1, v2, _ =	vpop (xrf1)  }
0x53: {  	v62, v63, _ =	vpop (xrf1)  }
0x54: {  	vm3 =	vge.f32 v1, v62  }
0x55: {  	v1 =	vsel vm3, v1, v62;
	v2 =	vsel vm3, v2, v63  }
0x56: {  	(xrf1) =	vsort.ascd.msk.f32 $0xffff, v1, v2  }
0x57: {  	(xrf1) =	vsort.dscd.msk.f32 $0xffff, v60, v61;
	_ =	sdelay $0xb  }
0x58: {  	v8 =	vld [tilespmem:$0xA0]  }
0x59: {  	v9 =	vld [tilespmem:$0x4A0];
	v1, v2, _ =	vpop (xrf1)  }
0x5a: {  	v10, v11, _ =	vpop (xrf1)  }
0x5b: {  	vm3 =	vge.f32 v1, v10  }
0x5c: {  	v1 =	vsel vm3, v1, v10;
	v2 =	vsel vm3, v2, v11  }
0x5d: {  	(xrf1) =	vsort.ascd.msk.f32 $0xffff, v1, v2  }
0x5e: {  	(xrf1) =	vsort.dscd.msk.f32 $0xffff, v8, v9;
	_ =	sdelay $0xb  }
0x5f: {  	v12 =	vld [tilespmem:$0xB0]  }
0x60: {  	v13 =	vld [tilespmem:$0x4B0];
	v1, v2, _ =	vpop (xrf1)  }
0x61: {  	v14, v15, _ =	vpop (xrf1)  }
0x62: {  	vm3 =	vge.f32 v1, v14  }
0x63: {  	v1 =	vsel vm3, v1, v14;
	v2 =	vsel vm3, v2, v15  }
0x64: {  	(xrf1) =	vsort.ascd.msk.f32 $0xffff, v1, v2  }
0x65: {  	(xrf1) =	vsort.dscd.msk.f32 $0xffff, v12, v13;
	_ =	sdelay $0xb  }
0x66: {  	v16 =	vld [tilespmem:$0xC0]  }
0x67: {  	v17 =	vld [tilespmem:$0x4C0];
	v1, v2, _ =	vpop (xrf1)  }
0x68: {  	v18, v19, _ =	vpop (xrf1)  }
0x69: {  	vm3 =	vge.f32 v1, v18  }
0x6a: {  	v1 =	vsel vm3, v1, v18;
	v2 =	vsel vm3, v2, v19  }
0x6b: {  	(xrf1) =	vsort.ascd.msk.f32 $0xffff, v1, v2  }
0x6c: {  	(xrf1) =	vsort.dscd.msk.f32 $0xffff, v16, v17;
	_ =	sdelay $0xb  }
0x6d: {  	v20 =	vld [tilespmem:$0xD0]  }
0x6e: {  	v21 =	vld [tilespmem:$0x4D0];
	v1, v2, _ =	vpop (xrf1)  }
0x6f: {  	v22, v23, _ =	vpop (xrf1)  }
0x70: {  	vm3 =	vge.f32 v1, v22  }
0x71: {  	v1 =	vsel vm3, v1, v22;
	v2 =	vsel vm3, v2, v23  }
0x72: {  	(xrf1) =	vsort.ascd.msk.f32 $0xffff, v1, v2  }
0x73: {  	(xrf1) =	vsort.dscd.msk.f32 $0xffff, v20, v21;
	_ =	sdelay $0xb  }
0x74: {  	v24 =	vld [tilespmem:$0xE0]  }
0x75: {  	v25 =	vld [tilespmem:$0x4E0];
	v1, v2, _ =	vpop (xrf1)  }
0x76: {  	v26, v27, _ =	vpop (xrf1)  }
0x77: {  	vm3 =	vge.f32 v1, v26  }
0x78: {  	v1 =	vsel vm3, v1, v26;
	v2 =	vsel vm3, v2, v27  }
0x79: {  	(xrf1) =	vsort.ascd.msk.f32 $0xffff, v1, v2  }
0x7a: {  	(xrf1) =	vsort.dscd.msk.f32 $0xffff, v24, v25;
	_ =	sdelay $0xb  }
0x7b: {  	v28 =	vld [tilespmem:$0xF0]  }
0x7c: {  	v29 =	vld [tilespmem:$0x4F0];
	v1, v2, _ =	vpop (xrf1)  }
0x7d: {  	v30, v31, _ =	vpop (xrf1)  }
0x7e: {  	vm3 =	vge.f32 v1, v30  }
0x7f: {  	v1 =	vsel vm3, v1, v30;
	v2 =	vsel vm3, v2, v31  }
0x80: {  	(xrf1) =	vsort.ascd.msk.f32 $0xffff, v1, v2  }
0x81: {  	(xrf1) =	vsort.dscd.msk.f32 $0xffff, v28, v29;
	_ =	sdelay $0xb  }
0x82: {  	v32 =	vld [tilespmem:$0x100]  }
0x83: {  	v33 =	vld [tilespmem:$0x500];
	v1, v2, _ =	vpop (xrf1)  }
0x84: {  	v34, v35, _ =	vpop (xrf1)  }
0x85: {  	vm3 =	vge.f32 v1, v34  }
0x86: {  	v1 =	vsel vm3, v1, v34;
	v2 =	vsel vm3, v2, v35  }
0x87: {  	(xrf1) =	vsort.ascd.msk.f32 $0xffff, v1, v2  }
0x88: {  	(xrf1) =	vsort.dscd.msk.f32 $0xffff, v32, v33;
	_ =	sdelay $0xb  }
0x89: {  	v36 =	vld [tilespmem:$0x110]  }
0x8a: {  	v37 =	vld [tilespmem:$0x510];
	v1, v2, _ =	vpop (xrf1)  }
0x8b: {  	v38, v39, _ =	vpop (xrf1)  }
0x8c: {  	vm3 =	vge.f32 v1, v38  }
0x8d: {  	v1 =	vsel vm3, v1, v38;
	v2 =	vsel vm3, v2, v39  }
0x8e: {  	(xrf1) =	vsort.ascd.msk.f32 $0xffff, v1, v2  }
0x8f: {  	(xrf1) =	vsort.dscd.msk.f32 $0xffff, v36, v37;
	_ =	sdelay $0xb  }
0x90: {  	v40 =	vld [tilespmem:$0x120]  }
0x91: {  	v41 =	vld [tilespmem:$0x520];
	v1, v2, _ =	vpop (xrf1)  }
0x92: {  	v42, v43, _ =	vpop (xrf1)  }
0x93: {  	vm3 =	vge.f32 v1, v42  }
0x94: {  	v1 =	vsel vm3, v1, v42;
	v2 =	vsel vm3, v2, v43  }
0x95: {  	(xrf1) =	vsort.ascd.msk.f32 $0xffff, v1, v2  }
0x96: {  	(xrf1) =	vsort.dscd.msk.f32 $0xffff, v40, v41;
	_ =	sdelay $0xb  }
0x97: {  	v44 =	vld [tilespmem:$0x130]  }
0x98: {  	v45 =	vld [tilespmem:$0x530];
	v1, v2, _ =	vpop (xrf1)  }
0x99: {  	v46, v47, _ =	vpop (xrf1)  }
0x9a: {  	vm3 =	vge.f32 v1, v46  }
0x9b: {  	v1 =	vsel vm3, v1, v46;
	v2 =	vsel vm3, v2, v47  }
0x9c: {  	(xrf1) =	vsort.ascd.msk.f32 $0xffff, v1, v2  }
0x9d: {  	(xrf1) =	vsort.dscd.msk.f32 $0xffff, v44, v45;
	_ =	sdelay $0xb  }
0x9e: {  	v48 =	vld [tilespmem:$0x140]  }
0x9f: {  	v49 =	vld [tilespmem:$0x540];
	v1, v2, _ =	vpop (xrf1)  }
0xa0: {  	v50, v51, _ =	vpop (xrf1)  }
0xa1: {  	vm3 =	vge.f32 v1, v50  }
0xa2: {  	v1 =	vsel vm3, v1, v50;
	v2 =	vsel vm3, v2, v51  }
0xa3: {  	(xrf1) =	vsort.ascd.msk.f32 $0xffff, v1, v2  }
0xa4: {  	(xrf1) =	vsort.dscd.msk.f32 $0xffff, v48, v49;
	_ =	sdelay $0xb  }
0xa5: {  	v52 =	vld [tilespmem:$0x150]  }
0xa6: {  	v53 =	vld [tilespmem:$0x550];
	v1, v2, _ =	vpop (xrf1)  }
0xa7: {  	v54, v55, _ =	vpop (xrf1)  }
0xa8: {  	vm3 =	vge.f32 v1, v54  }
0xa9: {  	v1 =	vsel vm3, v1, v54;
	v2 =	vsel vm3, v2, v55  }
0xaa: {  	(xrf1) =	vsort.ascd.msk.f32 $0xffff, v1, v2  }
0xab: {  	(xrf1) =	vsort.dscd.msk.f32 $0xffff, v52, v53;
	_ =	sdelay $0xb  }
0xac: {  	v56 =	vld [tilespmem:$0x160]  }
0xad: {  	v57 =	vld [tilespmem:$0x560];
	v1, v2, _ =	vpop (xrf1)  }
0xae: {  	v58, v59, _ =	vpop (xrf1)  }
0xaf: {  	vm3 =	vge.f32 v1, v58  }
0xb0: {  	v1 =	vsel vm3, v1, v58;
	v2 =	vsel vm3, v2, v59  }
0xb1: {  	(xrf1) =	vsort.ascd.msk.f32 $0xffff, v1, v2  }
0xb2: {  	(xrf1) =	vsort.dscd.msk.f32 $0xffff, v56, v57;
	_ =	sdelay $0xb  }
0xb3: {  	v60 =	vld [tilespmem:$0x170]  }
0xb4: {  	v61 =	vld [tilespmem:$0x570];
	v1, v2, _ =	vpop (xrf1)  }
0xb5: {  	v62, v63, _ =	vpop (xrf1)  }
0xb6: {  	vm3 =	vge.f32 v1, v62  }
0xb7: {  	v1 =	vsel vm3, v1, v62;
	v2 =	vsel vm3, v2, v63  }
0xb8: {  	(xrf1) =	vsort.ascd.msk.f32 $0xffff, v1, v2  }
0xb9: {  	(xrf1) =	vsort.dscd.msk.f32 $0xffff, v60, v61;
	_ =	sdelay $0xb  }
0xba: {  	v8 =	vld [tilespmem:$0x180]  }
0xbb: {  	v9 =	vld [tilespmem:$0x580];
	v1, v2, _ =	vpop (xrf1)  }
0xbc: {  	v10, v11, _ =	vpop (xrf1)  }
0xbd: {  	vm3 =	vge.f32 v1, v10  }
0xbe: {  	v1 =	vsel vm3, v1, v10;
	v2 =	vsel vm3, v2, v11  }
0xbf: {  	(xrf1) =	vsort.ascd.msk.f32 $0xffff, v1, v2  }
0xc0: {  	(xrf1) =	vsort.dscd.msk.f32 $0xffff, v8, v9;
	_ =	sdelay $0xb  }
0xc1: {  	v12 =	vld [tilespmem:$0x190]  }
0xc2: {  	v13 =	vld [tilespmem:$0x590];
	v1, v2, _ =	vpop (xrf1)  }
0xc3: {  	v14, v15, _ =	vpop (xrf1)  }
0xc4: {  	vm3 =	vge.f32 v1, v14  }
0xc5: {  	v1 =	vsel vm3, v1, v14;
	v2 =	vsel vm3, v2, v15  }
0xc6: {  	(xrf1) =	vsort.ascd.msk.f32 $0xffff, v1, v2  }
0xc7: {  	(xrf1) =	vsort.dscd.msk.f32 $0xffff, v12, v13;
	_ =	sdelay $0xb  }
0xc8: {  	v16 =	vld [tilespmem:$0x1A0]  }
0xc9: {  	v17 =	vld [tilespmem:$0x5A0];
	v1, v2, _ =	vpop (xrf1)  }
0xca: {  	v18, v19, _ =	vpop (xrf1)  }
0xcb: {  	vm3 =	vge.f32 v1, v18  }
0xcc: {  	v1 =	vsel vm3, v1, v18;
	v2 =	vsel vm3, v2, v19  }
0xcd: {  	(xrf1) =	vsort.ascd.msk.f32 $0xffff, v1, v2  }
0xce: {  	(xrf1) =	vsort.dscd.msk.f32 $0xffff, v16, v17;
	_ =	sdelay $0xb  }
0xcf: {  	v20 =	vld [tilespmem:$0x1B0]  }
0xd0: {  	v21 =	vld [tilespmem:$0x5B0];
	v1, v2, _ =	vpop (xrf1)  }
0xd1: {  	v22, v23, _ =	vpop (xrf1)  }
0xd2: {  	vm3 =	vge.f32 v1, v22  }
0xd3: {  	v1 =	vsel vm3, v1, v22;
	v2 =	vsel vm3, v2, v23  }
0xd4: {  	(xrf1) =	vsort.ascd.msk.f32 $0xffff, v1, v2  }
0xd5: {  	(xrf1) =	vsort.dscd.msk.f32 $0xffff, v20, v21;
	_ =	sdelay $0xb  }
0xd6: {  	v24 =	vld [tilespmem:$0x1C0]  }
0xd7: {  	v25 =	vld [tilespmem:$0x5C0];
	v1, v2, _ =	vpop (xrf1)  }
0xd8: {  	v26, v27, _ =	vpop (xrf1)  }
0xd9: {  	vm3 =	vge.f32 v1, v26  }
0xda: {  	v1 =	vsel vm3, v1, v26;
	v2 =	vsel vm3, v2, v27  }
0xdb: {  	(xrf1) =	vsort.ascd.msk.f32 $0xffff, v1, v2  }
0xdc: {  	(xrf1) =	vsort.dscd.msk.f32 $0xffff, v24, v25;
	_ =	sdelay $0xb  }
0xdd: {  	v28 =	vld [tilespmem:$0x1D0]  }
0xde: {  	v29 =	vld [tilespmem:$0x5D0];
	v1, v2, _ =	vpop (xrf1)  }
0xdf: {  	v30, v31, _ =	vpop (xrf1)  }
0xe0: {  	vm3 =	vge.f32 v1, v30  }
0xe1: {  	v1 =	vsel vm3, v1, v30;
	v2 =	vsel vm3, v2, v31  }
0xe2: {  	(xrf1) =	vsort.ascd.msk.f32 $0xffff, v1, v2  }
0xe3: {  	(xrf1) =	vsort.dscd.msk.f32 $0xffff, v28, v29;
	_ =	sdelay $0xb  }
0xe4: {  	v32 =	vld [tilespmem:$0x1E0]  }
0xe5: {  	v33 =	vld [tilespmem:$0x5E0];
	v1, v2, _ =	vpop (xrf1)  }
0xe6: {  	v34, v35, _ =	vpop (xrf1)  }
0xe7: {  	vm3 =	vge.f32 v1, v34  }
0xe8: {  	v1 =	vsel vm3, v1, v34;
	v2 =	vsel vm3, v2, v35  }
0xe9: {  	(xrf1) =	vsort.ascd.msk.f32 $0xffff, v1, v2  }
0xea: {  	(xrf1) =	vsort.dscd.msk.f32 $0xffff, v32, v33;
	_ =	sdelay $0xb  }
0xeb: {  	v36 =	vld [tilespmem:$0x1F0]  }
0xec: {  	v37 =	vld [tilespmem:$0x5F0];
	v1, v2, _ =	vpop (xrf1)  }
0xed: {  	v38, v39, _ =	vpop (xrf1)  }
0xee: {  	vm3 =	vge.f32 v1, v38  }
0xef: {  	v1 =	vsel vm3, v1, v38;
	v2 =	vsel vm3, v2, v39  }
0xf0: {  	(xrf1) =	vsort.ascd.msk.f32 $0xffff, v1, v2  }
0xf1: {  	(xrf1) =	vsort.dscd.msk.f32 $0xffff, v36, v37;
	_ =	sdelay $0xb  }
0xf2: {  	v40 =	vld [tilespmem:$0x200]  }
0xf3: {  	v41 =	vld [tilespmem:$0x600];
	v1, v2, _ =	vpop (xrf1)  }
0xf4: {  	v42, v43, _ =	vpop (xrf1)  }
0xf5: {  	vm3 =	vge.f32 v1, v42  }
0xf6: {  	v1 =	vsel vm3, v1, v42;
	v2 =	vsel vm3, v2, v43  }
0xf7: {  	(xrf1) =	vsort.ascd.msk.f32 $0xffff, v1, v2  }
0xf8: {  	(xrf1) =	vsort.dscd.msk.f32 $0xffff, v40, v41;
	_ =	sdelay $0xb  }
0xf9: {  	v44 =	vld [tilespmem:$0x210]  }
0xfa: {  	v45 =	vld [tilespmem:$0x610];
	v1, v2, _ =	vpop (xrf1)  }
0xfb: {  	v46, v47, _ =	vpop (xrf1)  }
0xfc: {  	vm3 =	vge.f32 v1, v46  }
0xfd: {  	v1 =	vsel vm3, v1, v46;
	v2 =	vsel vm3, v2, v47  }
0xfe: {  	(xrf1) =	vsort.ascd.msk.f32 $0xffff, v1, v2  }
0xff: {  	(xrf1) =	vsort.dscd.msk.f32 $0xffff, v44, v45;
	_ =	sdelay $0xb  }
0x100: {  	v48 =	vld [tilespmem:$0x220]  }
0x101: {  	v49 =	vld [tilespmem:$0x620];
	v1, v2, _ =	vpop (xrf1)  }
0x102: {  	v50, v51, _ =	vpop (xrf1)  }
0x103: {  	vm3 =	vge.f32 v1, v50  }
0x104: {  	v1 =	vsel vm3, v1, v50;
	v2 =	vsel vm3, v2, v51  }
0x105: {  	(xrf1) =	vsort.ascd.msk.f32 $0xffff, v1, v2  }
0x106: {  	(xrf1) =	vsort.dscd.msk.f32 $0xffff, v48, v49;
	_ =	sdelay $0xb  }
0x107: {  	v52 =	vld [tilespmem:$0x230]  }
0x108: {  	v53 =	vld [tilespmem:$0x630];
	v1, v2, _ =	vpop (xrf1)  }
0x109: {  	v54, v55, _ =	vpop (xrf1)  }
0x10a: {  	vm3 =	vge.f32 v1, v54  }
0x10b: {  	v1 =	vsel vm3, v1, v54;
	v2 =	vsel vm3, v2, v55  }
0x10c: {  	(xrf1) =	vsort.ascd.msk.f32 $0xffff, v1, v2  }
0x10d: {  	(xrf1) =	vsort.dscd.msk.f32 $0xffff, v52, v53;
	_ =	sdelay $0xb  }
0x10e: {  	v56 =	vld [tilespmem:$0x240]  }
0x10f: {  	v57 =	vld [tilespmem:$0x640];
	v1, v2, _ =	vpop (xrf1)  }
0x110: {  	v58, v59, _ =	vpop (xrf1)  }
0x111: {  	vm3 =	vge.f32 v1, v58  }
0x112: {  	v1 =	vsel vm3, v1, v58;
	v2 =	vsel vm3, v2, v59  }
0x113: {  	(xrf1) =	vsort.ascd.msk.f32 $0xffff, v1, v2  }
0x114: {  	(xrf1) =	vsort.dscd.msk.f32 $0xffff, v56, v57;
	_ =	sdelay $0xb  }
0x115: {  	v60 =	vld [tilespmem:$0x250]  }
0x116: {  	v61 =	vld [tilespmem:$0x650];
	v1, v2, _ =	vpop (xrf1)  }
0x117: {  	v62, v63, _ =	vpop (xrf1)  }
0x118: {  	vm3 =	vge.f32 v1, v62  }
0x119: {  	v1 =	vsel vm3, v1, v62;
	v2 =	vsel vm3, v2, v63  }
0x11a: {  	(xrf1) =	vsort.ascd.msk.f32 $0xffff, v1, v2  }
0x11b: {  	(xrf1) =	vsort.dscd.msk.f32 $0xffff, v60, v61;
	_ =	sdelay $0xb  }
0x11c: {  	v8 =	vld [tilespmem:$0x260]  }
0x11d: {  	v9 =	vld [tilespmem:$0x660];
	v1, v2, _ =	vpop (xrf1)  }
0x11e: {  	v10, v11, _ =	vpop (xrf1)  }
0x11f: {  	vm3 =	vge.f32 v1, v10  }
0x120: {  	v1 =	vsel vm3, v1, v10;
	v2 =	vsel vm3, v2, v11  }
0x121: {  	(xrf1) =	vsort.ascd.msk.f32 $0xffff, v1, v2  }
0x122: {  	(xrf1) =	vsort.dscd.msk.f32 $0xffff, v8, v9;
	_ =	sdelay $0xb  }
0x123: {  	v12 =	vld [tilespmem:$0x270]  }
0x124: {  	v13 =	vld [tilespmem:$0x670];
	v1, v2, _ =	vpop (xrf1)  }
0x125: {  	v14, v15, _ =	vpop (xrf1)  }
0x126: {  	vm3 =	vge.f32 v1, v14  }
0x127: {  	v1 =	vsel vm3, v1, v14;
	v2 =	vsel vm3, v2, v15  }
0x128: {  	(xrf1) =	vsort.ascd.msk.f32 $0xffff, v1, v2  }
0x129: {  	(xrf1) =	vsort.dscd.msk.f32 $0xffff, v12, v13;
	_ =	sdelay $0xb  }
0x12a: {  	v16 =	vld [tilespmem:$0x280]  }
0x12b: {  	v17 =	vld [tilespmem:$0x680];
	v1, v2, _ =	vpop (xrf1)  }
0x12c: {  	v18, v19, _ =	vpop (xrf1)  }
0x12d: {  	vm3 =	vge.f32 v1, v18  }
0x12e: {  	v1 =	vsel vm3, v1, v18;
	v2 =	vsel vm3, v2, v19  }
0x12f: {  	(xrf1) =	vsort.ascd.msk.f32 $0xffff, v1, v2  }
0x130: {  	(xrf1) =	vsort.dscd.msk.f32 $0xffff, v16, v17;
	_ =	sdelay $0xb  }
0x131: {  	v20 =	vld [tilespmem:$0x290]  }
0x132: {  	v21 =	vld [tilespmem:$0x690];
	v1, v2, _ =	vpop (xrf1)  }
0x133: {  	v22, v23, _ =	vpop (xrf1)  }
0x134: {  	vm3 =	vge.f32 v1, v22  }
0x135: {  	v1 =	vsel vm3, v1, v22;
	v2 =	vsel vm3, v2, v23  }
0x136: {  	(xrf1) =	vsort.ascd.msk.f32 $0xffff, v1, v2  }
0x137: {  	(xrf1) =	vsort.dscd.msk.f32 $0xffff, v20, v21;
	_ =	sdelay $0xb  }
0x138: {  	v24 =	vld [tilespmem:$0x2A0]  }
0x139: {  	v25 =	vld [tilespmem:$0x6A0];
	v1, v2, _ =	vpop (xrf1)  }
0x13a: {  	v26, v27, _ =	vpop (xrf1)  }
0x13b: {  	vm3 =	vge.f32 v1, v26  }
0x13c: {  	v1 =	vsel vm3, v1, v26;
	v2 =	vsel vm3, v2, v27  }
0x13d: {  	(xrf1) =	vsort.ascd.msk.f32 $0xffff, v1, v2  }
0x13e: {  	(xrf1) =	vsort.dscd.msk.f32 $0xffff, v24, v25;
	_ =	sdelay $0xb  }
0x13f: {  	v28 =	vld [tilespmem:$0x2B0]  }
0x140: {  	v29 =	vld [tilespmem:$0x6B0];
	v1, v2, _ =	vpop (xrf1)  }
0x141: {  	v30, v31, _ =	vpop (xrf1)  }
0x142: {  	vm3 =	vge.f32 v1, v30  }
0x143: {  	v1 =	vsel vm3, v1, v30;
	v2 =	vsel vm3, v2, v31  }
0x144: {  	(xrf1) =	vsort.ascd.msk.f32 $0xffff, v1, v2  }
0x145: {  	(xrf1) =	vsort.dscd.msk.f32 $0xffff, v28, v29;
	_ =	sdelay $0xb  }
0x146: {  	v32 =	vld [tilespmem:$0x2C0]  }
0x147: {  	v33 =	vld [tilespmem:$0x6C0];
	v1, v2, _ =	vpop (xrf1)  }
0x148: {  	v34, v35, _ =	vpop (xrf1)  }
0x149: {  	vm3 =	vge.f32 v1, v34  }
0x14a: {  	v1 =	vsel vm3, v1, v34;
	v2 =	vsel vm3, v2, v35  }
0x14b: {  	(xrf1) =	vsort.ascd.msk.f32 $0xffff, v1, v2  }
0x14c: {  	(xrf1) =	vsort.dscd.msk.f32 $0xffff, v32, v33;
	_ =	sdelay $0xb  }
0x14d: {  	v36 =	vld [tilespmem:$0x2D0]  }
0x14e: {  	v37 =	vld [tilespmem:$0x6D0];
	v1, v2, _ =	vpop (xrf1)  }
0x14f: {  	v38, v39, _ =	vpop (xrf1)  }
0x150: {  	vm3 =	vge.f32 v1, v38  }
0x151: {  	v1 =	vsel vm3, v1, v38;
	v2 =	vsel vm3, v2, v39  }
0x152: {  	(xrf1) =	vsort.ascd.msk.f32 $0xffff, v1, v2  }
0x153: {  	(xrf1) =	vsort.dscd.msk.f32 $0xffff, v36, v37;
	_ =	sdelay $0xb  }
0x154: {  	v40 =	vld [tilespmem:$0x2E0]  }
0x155: {  	v41 =	vld [tilespmem:$0x6E0];
	v1, v2, _ =	vpop (xrf1)  }
0x156: {  	v42, v43, _ =	vpop (xrf1)  }
0x157: {  	vm3 =	vge.f32 v1, v42  }
0x158: {  	v1 =	vsel vm3, v1, v42;
	v2 =	vsel vm3, v2, v43  }
0x159: {  	(xrf1) =	vsort.ascd.msk.f32 $0xffff, v1, v2  }
0x15a: {  	(xrf1) =	vsort.dscd.msk.f32 $0xffff, v40, v41;
	_ =	sdelay $0xb  }
0x15b: {  	v44 =	vld [tilespmem:$0x2F0]  }
0x15c: {  	v45 =	vld [tilespmem:$0x6F0];
	v1, v2, _ =	vpop (xrf1)  }
0x15d: {  	v46, v47, _ =	vpop (xrf1)  }
0x15e: {  	vm3 =	vge.f32 v1, v46  }
0x15f: {  	v1 =	vsel vm3, v1, v46;
	v2 =	vsel vm3, v2, v47  }
0x160: {  	(xrf1) =	vsort.ascd.msk.f32 $0xffff, v1, v2  }
0x161: {  	(xrf1) =	vsort.dscd.msk.f32 $0xffff, v44, v45;
	_ =	sdelay $0xb  }
0x162: {  	v48 =	vld [tilespmem:$0x300]  }
0x163: {  	v49 =	vld [tilespmem:$0x700];
	v1, v2, _ =	vpop (xrf1)  }
0x164: {  	v50, v51, _ =	vpop (xrf1)  }
0x165: {  	vm3 =	vge.f32 v1, v50  }
0x166: {  	v1 =	vsel vm3, v1, v50;
	v2 =	vsel vm3, v2, v51  }
0x167: {  	(xrf1) =	vsort.ascd.msk.f32 $0xffff, v1, v2  }
0x168: {  	(xrf1) =	vsort.dscd.msk.f32 $0xffff, v48, v49;
	_ =	sdelay $0xb  }
0x169: {  	v52 =	vld [tilespmem:$0x310]  }
0x16a: {  	v53 =	vld [tilespmem:$0x710];
	v1, v2, _ =	vpop (xrf1)  }
0x16b: {  	v54, v55, _ =	vpop (xrf1)  }
0x16c: {  	vm3 =	vge.f32 v1, v54  }
0x16d: {  	v1 =	vsel vm3, v1, v54;
	v2 =	vsel vm3, v2, v55  }
0x16e: {  	(xrf1) =	vsort.ascd.msk.f32 $0xffff, v1, v2  }
0x16f: {  	(xrf1) =	vsort.dscd.msk.f32 $0xffff, v52, v53;
	_ =	sdelay $0xb  }
0x170: {  	v56 =	vld [tilespmem:$0x320]  }
0x171: {  	v57 =	vld [tilespmem:$0x720];
	v1, v2, _ =	vpop (xrf1)  }
0x172: {  	v58, v59, _ =	vpop (xrf1)  }
0x173: {  	vm3 =	vge.f32 v1, v58  }
0x174: {  	v1 =	vsel vm3, v1, v58;
	v2 =	vsel vm3, v2, v59  }
0x175: {  	(xrf1) =	vsort.ascd.msk.f32 $0xffff, v1, v2  }
0x176: {  	(xrf1) =	vsort.dscd.msk.f32 $0xffff, v56, v57;
	_ =	sdelay $0xb  }
0x177: {  	v60 =	vld [tilespmem:$0x330]  }
0x178: {  	v61 =	vld [tilespmem:$0x730];
	v1, v2, _ =	vpop (xrf1)  }
0x179: {  	v62, v63, _ =	vpop (xrf1)  }
0x17a: {  	vm3 =	vge.f32 v1, v62  }
0x17b: {  	v1 =	vsel vm3, v1, v62;
	v2 =	vsel vm3, v2, v63  }
0x17c: {  	(xrf1) =	vsort.ascd.msk.f32 $0xffff, v1, v2  }
0x17d: {  	(xrf1) =	vsort.dscd.msk.f32 $0xffff, v60, v61;
	_ =	sdelay $0xb  }
0x17e: {  	v8 =	vld [tilespmem:$0x340]  }
0x17f: {  	v9 =	vld [tilespmem:$0x740];
	v1, v2, _ =	vpop (xrf1)  }
0x180: {  	v10, v11, _ =	vpop (xrf1)  }
0x181: {  	vm3 =	vge.f32 v1, v10  }
0x182: {  	v1 =	vsel vm3, v1, v10;
	v2 =	vsel vm3, v2, v11  }
0x183: {  	(xrf1) =	vsort.ascd.msk.f32 $0xffff, v1, v2  }
0x184: {  	(xrf1) =	vsort.dscd.msk.f32 $0xffff, v8, v9;
	_ =	sdelay $0xb  }
0x185: {  	v12 =	vld [tilespmem:$0x350]  }
0x186: {  	v13 =	vld [tilespmem:$0x750];
	v1, v2, _ =	vpop (xrf1)  }
0x187: {  	v14, v15, _ =	vpop (xrf1)  }
0x188: {  	vm3 =	vge.f32 v1, v14  }
0x189: {  	v1 =	vsel vm3, v1, v14;
	v2 =	vsel vm3, v2, v15  }
0x18a: {  	(xrf1) =	vsort.ascd.msk.f32 $0xffff, v1, v2  }
0x18b: {  	(xrf1) =	vsort.dscd.msk.f32 $0xffff, v12, v13;
	_ =	sdelay $0xb  }
0x18c: {  	v16 =	vld [tilespmem:$0x360]  }
0x18d: {  	v17 =	vld [tilespmem:$0x760];
	v1, v2, _ =	vpop (xrf1)  }
0x18e: {  	v18, v19, _ =	vpop (xrf1)  }
0x18f: {  	vm3 =	vge.f32 v1, v18  }
0x190: {  	v1 =	vsel vm3, v1, v18;
	v2 =	vsel vm3, v2, v19  }
0x191: {  	(xrf1) =	vsort.ascd.msk.f32 $0xffff, v1, v2  }
0x192: {  	(xrf1) =	vsort.dscd.msk.f32 $0xffff, v16, v17;
	_ =	sdelay $0xb  }
0x193: {  	v20 =	vld [tilespmem:$0x370]  }
0x194: {  	v21 =	vld [tilespmem:$0x770];
	v1, v2, _ =	vpop (xrf1)  }
0x195: {  	v22, v23, _ =	vpop (xrf1)  }
0x196: {  	vm3 =	vge.f32 v1, v22  }
0x197: {  	v1 =	vsel vm3, v1, v22;
	v2 =	vsel vm3, v2, v23  }
0x198: {  	(xrf1) =	vsort.ascd.msk.f32 $0xffff, v1, v2  }
0x199: {  	(xrf1) =	vsort.dscd.msk.f32 $0xffff, v20, v21;
	_ =	sdelay $0xb  }
0x19a: {  	v24 =	vld [tilespmem:$0x380]  }
0x19b: {  	v25 =	vld [tilespmem:$0x780];
	v1, v2, _ =	vpop (xrf1)  }
0x19c: {  	v26, v27, _ =	vpop (xrf1)  }
0x19d: {  	vm3 =	vge.f32 v1, v26  }
0x19e: {  	v1 =	vsel vm3, v1, v26;
	v2 =	vsel vm3, v2, v27  }
0x19f: {  	(xrf1) =	vsort.ascd.msk.f32 $0xffff, v1, v2  }
0x1a0: {  	(xrf1) =	vsort.dscd.msk.f32 $0xffff, v24, v25;
	_ =	sdelay $0xb  }
0x1a1: {  	v28 =	vld [tilespmem:$0x390]  }
0x1a2: {  	v29 =	vld [tilespmem:$0x790];
	v1, v2, _ =	vpop (xrf1)  }
0x1a3: {  	v30, v31, _ =	vpop (xrf1)  }
0x1a4: {  	vm3 =	vge.f32 v1, v30  }
0x1a5: {  	v1 =	vsel vm3, v1, v30;
	v2 =	vsel vm3, v2, v31  }
0x1a6: {  	(xrf1) =	vsort.ascd.msk.f32 $0xffff, v1, v2  }
0x1a7: {  	(xrf1) =	vsort.dscd.msk.f32 $0xffff, v28, v29;
	_ =	sdelay $0xb  }
0x1a8: {  	v32 =	vld [tilespmem:$0x3A0]  }
0x1a9: {  	v33 =	vld [tilespmem:$0x7A0];
	v1, v2, _ =	vpop (xrf1)  }
0x1aa: {  	v34, v35, _ =	vpop (xrf1)  }
0x1ab: {  	vm3 =	vge.f32 v1, v34  }
0x1ac: {  	v1 =	vsel vm3, v1, v34;
	v2 =	vsel vm3, v2, v35  }
0x1ad: {  	(xrf1) =	vsort.ascd.msk.f32 $0xffff, v1, v2  }
0x1ae: {  	(xrf1) =	vsort.dscd.msk.f32 $0xffff, v32, v33;
	_ =	sdelay $0xb  }
0x1af: {  	v36 =	vld [tilespmem:$0x3B0]  }
0x1b0: {  	v37 =	vld [tilespmem:$0x7B0];
	v1, v2, _ =	vpop (xrf1)  }
0x1b1: {  	v38, v39, _ =	vpop (xrf1)  }
0x1b2: {  	vm3 =	vge.f32 v1, v38  }
0x1b3: {  	v1 =	vsel vm3, v1, v38;
	v2 =	vsel vm3, v2, v39  }
0x1b4: {  	(xrf1) =	vsort.ascd.msk.f32 $0xffff, v1, v2  }
0x1b5: {  	(xrf1) =	vsort.dscd.msk.f32 $0xffff, v36, v37;
	_ =	sdelay $0xb  }
0x1b6: {  	v40 =	vld [tilespmem:$0x3C0]  }
0x1b7: {  	v41 =	vld [tilespmem:$0x7C0];
	v1, v2, _ =	vpop (xrf1)  }
0x1b8: {  	v42, v43, _ =	vpop (xrf1)  }
0x1b9: {  	vm3 =	vge.f32 v1, v42  }
0x1ba: {  	v1 =	vsel vm3, v1, v42;
	v2 =	vsel vm3, v2, v43  }
0x1bb: {  	(xrf1) =	vsort.ascd.msk.f32 $0xffff, v1, v2  }
0x1bc: {  	(xrf1) =	vsort.dscd.msk.f32 $0xffff, v40, v41;
	_ =	sdelay $0xb  }
0x1bd: {  	v44 =	vld [tilespmem:$0x3D0]  }
0x1be: {  	v45 =	vld [tilespmem:$0x7D0];
	v1, v2, _ =	vpop (xrf1)  }
0x1bf: {  	v46, v47, _ =	vpop (xrf1)  }
0x1c0: {  	vm3 =	vge.f32 v1, v46  }
0x1c1: {  	v1 =	vsel vm3, v1, v46;
	v2 =	vsel vm3, v2, v47  }
0x1c2: {  	(xrf1) =	vsort.ascd.msk.f32 $0xffff, v1, v2  }
0x1c3: {  	(xrf1) =	vsort.dscd.msk.f32 $0xffff, v44, v45;
	_ =	sdelay $0xb  }
0x1c4: {  	v48 =	vld [tilespmem:$0x3E0]  }
0x1c5: {  	v49 =	vld [tilespmem:$0x7E0];
	v1, v2, _ =	vpop (xrf1)  }
0x1c6: {  	v50, v51, _ =	vpop (xrf1)  }
0x1c7: {  	vm3 =	vge.f32 v1, v50  }
0x1c8: {  	v1 =	vsel vm3, v1, v50;
	v2 =	vsel vm3, v2, v51  }
0x1c9: {  	(xrf1) =	vsort.ascd.msk.f32 $0xffff, v1, v2  }
0x1ca: {  	(xrf1) =	vsort.dscd.msk.f32 $0xffff, v48, v49;
	_ =	sdelay $0xb  }
0x1cb: {  	v52 =	vld [tilespmem:$0x3F0]  }
0x1cc: {  	v53 =	vld [tilespmem:$0x7F0];
	v1, v2, _ =	vpop (xrf1)  }
0x1cd: {  	v54, v55, _ =	vpop (xrf1)  }
0x1ce: {  	vm3 =	vge.f32 v1, v54  }
0x1cf: {  	v1 =	vsel vm3, v1, v54;
	v2 =	vsel vm3, v2, v55  }
0x1d0: {  	(xrf1) =	vsort.ascd.msk.f32 $0xffff, v1, v2  }
0x1d1: {  	(xrf1) =	vsort.dscd.msk.f32 $0xffff, v52, v53;
	_ =	sdelay $0xc  }
0x1d2: {  	v56, v1, _ =	vpop (xrf1)  }
0x1d3: {  	v57, v3, _ =	vpop (xrf1)  }
0x1d4: {  	vm3 =	vge.f32 v56, v57  }
0x1d5: {  	v0 =	vsel vm3, v56, v57;
	v1 =	vsel vm3, v1, v3  }
0x1d6: {  	(xrf1) =	vsort.ascd.msk.f32 $0xffff, v0, v1;
	_ =	sdelay $0xd  }
0x1d7: {  	v0, v1, _ =	vpop (xrf1)  }
0x1d8: {  	(xrf0) =	vmax.scan.msk.f32 $0xffff, v0;
	_ =	sdelay $0x5  }
0x1d9: {  	v58, _, _ =	vpop (xrf0)  }
0x1da: {  	v2 =	vbroadcast v58, $0xF;
	_ =	sdelay $0x1  }
0x1db: {  	v0 =	vsub.f32 v0, v2;
	_ =	sdelay $0x1  }
0x1dc: {  	v0 =	vmul.f32 $1.442695020e+00, v0;
	_ =	sdelay $0x1  }
0x1dd: {  	(erf) = vpow2.f32 v0;
	_ =	sdelay $0x8  }
0x1de: {  	v0 =	vpop (erf)  }
0x1df: {  	vm3 =	veq.s32 v1, $0x1;
	v0 =	vsel vm0, $0x0, v0  }
0x1e0: {  	v59 =	vnsel vm3, $0x0, v0;
	vm3 =	veq.s32 v1, $0x0  }
0x1e1: {  	(xrf2) =	vadd.scan.msk.f32 $0xffff, v59;
	v0 =	vnsel vm3, $0x0, v0  }
0x1e2: {  	(xrf2) =	vadd.scan.msk.f32 $0xffff, v0;
	_ =	sdelay $0x8  }
0x1e3: {  	v60, _, _ =	vpop (xrf2)  }
0x1e4: {  	(v2sf) =	vpush v60, $0xF;
	v61, _, _ =	vpop (xrf2)  }
0x1e5: {  	(v2sf) =	vpush v61, $0xF;
	_ =	sdelay $0xd  }
0x1e6: {  	s11 =	spop (v2sf)  }
0x1e7: {  	s12 =	spop (v2sf)  }
0x1e8: {  	s11 =	sadd.f32 s11, s12;
	_ =	sdelay $0x1  }
0x1e9: {  	v62 =	vmov s11  }
0x1ea: {  	v2 =	vsub.s32 $0x7EF127EA, v62  }
0x1eb: {  	v63 =	vmul.f32 s11, v2;
	_ =	sdelay $0x1  }
0x1ec: {  	v3 =	vsub.f32 $2.000000000e+00, v63;
	_ =	sdelay $0x1  }
0x1ed: {  	v2 =	vmul.f32 v2, v3;
	_ =	sdelay $0x1  }
0x1ee: {  	v3 =	vmul.f32 s11, v2;
	_ =	sdelay $0x1  }
0x1ef: {  	v3 =	vsub.f32 $2.000000000e+00, v3;
	_ =	sdelay $0x1  }
0x1f0: {  	v2 =	vmul.f32 v3, v2;
	_ =	sdelay $0x1  }
0x1f1: {  	v3 =	vmul.f32 s11, v2;
	_ =	sdelay $0x1  }
0x1f2: {  	v0 =	vbroadcast v60, $0xF;
	v3 =	vsub.f32 $2.000000000e+00, v3  }
0x1f3: {  	v1 =	vbroadcast v61, $0xF  }
0x1f4: {  	v0 =	vnsel vm1, $0x0, v0;
	v2 =	vmul.f32 v3, v2  }
0x1f5: {  	v0 =	vsel vm2, v0, v1  }
0x1f6: {  	v0 =	vmul.f32 v2, v0  }
0x1f7: {  	p0 =	sne.s32 s6, $0x1  }
.Ltmp0:
0x1f8: {  	[tilespmem:$0x800] =	vst v0;
	(pc) =	sbr.rel @p0 .LBB2_1-.Ltmp0, $4  }
0x1f9: {  	[hbm4b:s5+s3] =	stream.linear.scatter [tilespmem:s10], [sflag:$0x1], $0x80, $0x38;
	[tilespmem:$0x880] =	vst v63  }
0x1fa: {  	_ =	swait.ge [sflag:s9], $0x80  }
0x1fb: {  	[sflag:s9] =	ssyncset.done $0x0  }
0x1fc: {  	s6 =	sadd.s32 $0xFFFFFFFF, s6;
	[sflag:s9] =	ssyncadd.s32 $0xFFFFFF80  }
0x1fd: {  	_ =	sfence.sel $0x180000  }
0x1fe: {  	[bflag:$0x0] =	sbarrier.arrive $0xFFFF  }
0x1ff: {  	p0 =	sne.s32 s1, $0x0;
	_ =	strace $0x90000047  }
0x200: {  	s0 =	sadd.s32 @!p0 $0x100000, s0;
	[bflag:$0x2] =	sbarrier.arrive $0xFFFF  }
0x201: {  	[sflag:s0] =	ssyncadd.tile.s32 @!p0 $0x1;
	_ =	shalt  }
.Lfunc_end2:
_tile_overlayer_lowered:
.L_overlay_start_2:
0x202: {  	(tag) =	ssettag $0x2  }
0x203: {  	s0 =	rddreg [dreg:$0x0];
	s2 =	stileid.u32  }
0x204: {  	s1 =	rddreg [dreg:$0x1];
	p0 =	sne.s32 s2, $0x0  }
0x205: {  	s3 =	rddreg [dreg:$0x2];
	[bflag:$0x3] =	sbarrier.arrive $0xFFFF;
	s2 =	simm.s32 @!p0 $0x1C01  }
0x206: {  	[timem:s3], [sflag:s2] =	dma.local @!p0 [hbm:s0], s1  }
0x207: {  	s0 =	simm.s32 @!p0 $0x1  }
0x208: {  	_ =	swait.ge @!p0 [sflag:s0], s1  }
0x209: {  	s1 =	ssub.s32 @!p0 $0x0, s1;
	[sflag:s0] =	ssyncset.done @!p0 $0x0  }
0x20a: {  	[sflag:s0] =	ssyncadd.s32 @!p0 s1  }
0x20b: {  	[bflag:$0x3] =	sbarrier.arrive $0xFFFF  }
0x20c: {  	_ =	shalt  }

</sc_bundles>
